<compile_context>
chip_gen: v7x
topology: tpu7x:2x2x1
jax: 0.10.2.dev20260603
libtpu: 0.0.44.dev20260713+nightly
codegen_flags: <defaults>
</compile_context>

<pallas_src>
import functools
import math

import jax
import jax.numpy as jnp
from jax import lax
from jax.experimental import pallas as pl
from jax.experimental.pallas import tpu as pltpu
from jax.experimental.pallas import tpu_sc as plsc

N = 5000
NPAD = 5120
LIMIT = 20000
OUT_PAD = LIMIT + 16
NW = 32
NC = 2
NB = 128
CAP = 20480
CHUNK = 512
SLOT = 624
GROWS = 6
UNROLL = 8


def _row_bounds():
    bs = [0]
    for b in range(1, NB):
        r = round(N * (1.0 - math.sqrt(1.0 - b / NB)))
        bs.append(max(bs[-1], min(r, N)))
    bs.append(N)
    return bs


_BOUNDS = _row_bounds()


def _wid():
    return lax.axis_index("s") * NC + lax.axis_index("c")


def _vscalar(vec, iota):
    return jnp.sum(jnp.where(iota == 0, vec, 0))


def _phase1_body(xmin_h, ymin_h, xmax_h, ymax_h, bounds_h,
                 counts_h, eg_h,
                 xmin_v, ymin_v, xmax_v, ymax_v, bounds_v,
                 bg, stage, sem):
    w = _wid()
    iota = lax.iota(jnp.int32, 16)

    pltpu.sync_copy(xmin_h, xmin_v)
    pltpu.sync_copy(ymin_h, ymin_v)
    pltpu.sync_copy(xmax_h, xmax_v)
    pltpu.sync_copy(ymax_h, ymax_v)
    pltpu.sync_copy(bounds_h, bounds_v)

    def row_body(i, off_v):
        isplat = jnp.full((16,), i, jnp.int32)
        ishift = isplat << 13
        rxmin = plsc.load_gather(xmin_v, [isplat])
        rymin = plsc.load_gather(ymin_v, [isplat])
        rxmax = plsc.load_gather(xmax_v, [isplat])
        rymax = plsc.load_gather(ymax_v, [isplat])
        lo = ((i + 1) // (16 * UNROLL)) * UNROLL

        def chunk_body(jc, offs):
            base = jc * 16
            cxmin = xmin_v[pl.ds(base, 16)]
            cymin = ymin_v[pl.ds(base, 16)]
            cxmax = xmax_v[pl.ds(base, 16)]
            cymax = ymax_v[pl.ds(base, 16)]
            ox = jnp.minimum(rxmax, cxmax) - jnp.maximum(rxmin, cxmin)
            oy = jnp.minimum(rymax, cymax) - jnp.maximum(rymin, cymin)
            jv = base + iota
            m = (jnp.minimum(ox, oy) > 0.0) & (jv > i)
            pos = plsc.cumsum(m.astype(jnp.int32))
            offc = jnp.minimum(offs, CAP - 16)
            plsc.store_scatter(bg, [offc + pos - 1], ishift | jv, mask=m)
            return offs + plsc.all_reduce_population_count(m)

        return plsc.parallel_loop(lo, NPAD // 16, unroll=UNROLL,
                                  carry=off_v)(chunk_body)

    def block_body(q, _):
        b = q * NW + w
        bvec_lo = plsc.load_gather(bounds_v, [jnp.full((16,), b, jnp.int32)])
        bvec_hi = plsc.load_gather(bounds_v,
                                   [jnp.full((16,), b + 1, jnp.int32)])
        rs = _vscalar(bvec_lo, iota)
        re = _vscalar(bvec_hi, iota)

        off_v = lax.fori_loop(rs, re, row_body, jnp.zeros((16,), jnp.int32))
        count = jnp.max(off_v)

        stage[...] = jnp.full((16,), count, jnp.int32)
        pltpu.sync_copy(stage, counts_h.at[pl.ds(b * 16, 16)])

        nch = (jnp.minimum(count, CAP) + CHUNK - 1) // CHUNK

        def spill(k, _):
            pltpu.sync_copy(bg.at[pl.ds(k * CHUNK, CHUNK)],
                            eg_h.at[pl.ds(b * CAP + k * CHUNK, CHUNK)])
            return 0

        lax.fori_loop(0, nch, spill, 0)
        return 0

    lax.fori_loop(0, NB // NW, block_body, 0)

    @pl.when(w == 0)
    def _():
        stage[...] = jnp.full((16,), -1, jnp.int32)
        pltpu.sync_copy(stage, eg_h.at[pl.ds(NB * CAP, 16)])


_PHASE1_KWARGS = dict(
    out_type=[
        jax.ShapeDtypeStruct((NB * 16,), jnp.int32),
        jax.ShapeDtypeStruct((NB * CAP + 16,), jnp.int32),
    ],
    scratch_types=[
        pltpu.VMEM((NPAD,), jnp.float32),
        pltpu.VMEM((NPAD,), jnp.float32),
        pltpu.VMEM((NPAD,), jnp.float32),
        pltpu.VMEM((NPAD,), jnp.float32),
        pltpu.VMEM((144,), jnp.int32),
        pltpu.VMEM((CAP,), jnp.int32),
        pltpu.VMEM((16,), jnp.int32),
        pltpu.SemaphoreType.DMA,
    ],
)


def _phase2_body(counts_h, eg_h, xmin_h, ymin_h, xmax_h, ymax_h, lim_h,
                 oi_h, oj_h, opx_h, opy_h,
                 cnt_v, lim_v, obuf, gidx, gbg,
                 xmin_v, ymin_v, xmax_v, ymax_v,
                 soi, soj, sox, soy, sem):
    w = _wid()
    iota = lax.iota(jnp.int32, 16)

    cdmas = [
        pltpu.async_copy(xmin_h, xmin_v, sem),
        pltpu.async_copy(ymin_h, ymin_v, sem),
        pltpu.async_copy(xmax_h, xmax_v, sem),
        pltpu.async_copy(ymax_h, ymax_v, sem),
    ]
    pltpu.sync_copy(counts_h, cnt_v)
    pltpu.sync_copy(lim_h, lim_v)

    lim = _vscalar(lim_v[...], iota)
    running = jnp.int32(0)
    for k in range(NB // 16):
        c_k = plsc.load_gather(cnt_v, [k * 256 + iota * 16])
        obuf[pl.ds(k * 16, 16)] = plsc.cumsum(c_k) - c_k + running
        running = running + jnp.sum(c_k)
    k_total = running
    mink = jnp.minimum(k_total, lim)

    rs = w * SLOT

    def sixteen(t, _):
        g = rs + t * 16 + iota
        lo = jnp.zeros((16,), jnp.int32)
        hi = jnp.full((16,), NB, jnp.int32)
        for _s in range(7):
            mid = (lo + hi) >> 1
            om = plsc.load_gather(obuf, [mid])
            cond = g >= om
            lo = jnp.where(cond, mid, lo)
            hi = jnp.where(cond, hi, mid)
        o_v = plsc.load_gather(obuf, [lo])
        addr = lo * CAP + g - o_v
        addr = jnp.where(g < mink, addr, NB * CAP + iota)
        gidx[pl.ds(t * 16, 16)] = addr
        return 0

    lax.fori_loop(0, GROWS * 8, sixteen, 0)

    dmas = []
    for r in range(GROWS):
        sl = pl.ds(r * 128, 128)
        dmas.append(pltpu.async_copy(eg_h.at[gidx.at[sl]], gbg.at[sl], sem))
    for d in dmas + cdmas:
        d.wait()

    def decode(t, _):
        sl = pl.ds(t * 16, 16)
        g = gbg[sl]
        iv = g >> 13
        jv = g & 8191
        neg = g < 0
        jv = jnp.where(neg, -1, jv)
        gi = jnp.maximum(iv, 0)
        gj = jnp.maximum(jv, 0)
        xi0 = plsc.load_gather(xmin_v, [gi])
        yi0 = plsc.load_gather(ymin_v, [gi])
        xi1 = plsc.load_gather(xmax_v, [gi])
        yi1 = plsc.load_gather(ymax_v, [gi])
        xj0 = plsc.load_gather(xmin_v, [gj])
        yj0 = plsc.load_gather(ymin_v, [gj])
        xj1 = plsc.load_gather(xmax_v, [gj])
        yj1 = plsc.load_gather(ymax_v, [gj])
        ox = jnp.minimum(xi1, xj1) - jnp.maximum(xi0, xj0)
        oy = jnp.minimum(yi1, yj1) - jnp.maximum(yi0, yj0)
        soi[sl] = iv
        soj[sl] = jv
        sox[sl] = jnp.where(neg, 0.0, ox)
        soy[sl] = jnp.where(neg, 0.0, oy)
        return 0

    lax.fori_loop(0, GROWS * 8, decode, 0)

    dmas = [
        pltpu.async_copy(soi.at[pl.ds(0, SLOT)], oi_h.at[pl.ds(rs, SLOT)], sem),
        pltpu.async_copy(soj.at[pl.ds(0, SLOT)], oj_h.at[pl.ds(rs, SLOT)], sem),
        pltpu.async_copy(sox.at[pl.ds(0, SLOT)], opx_h.at[pl.ds(rs, SLOT)], sem),
        pltpu.async_copy(soy.at[pl.ds(0, SLOT)], opy_h.at[pl.ds(rs, SLOT)], sem),
    ]
    for d in dmas:
        d.wait()

    @pl.when(w == NW - 1)
    def _():
        src = pl.ds(SLOT, LIMIT - NW * SLOT)
        dst = pl.ds(rs + SLOT, LIMIT - NW * SLOT)
        d1 = pltpu.async_copy(soi.at[src], oi_h.at[dst], sem)
        d2 = pltpu.async_copy(soj.at[src], oj_h.at[dst], sem)
        d3 = pltpu.async_copy(sox.at[src], opx_h.at[dst], sem)
        d4 = pltpu.async_copy(soy.at[src], opy_h.at[dst], sem)
        d1.wait()
        d2.wait()
        d3.wait()
        d4.wait()


_PHASE2_KWARGS = dict(
    out_type=[
        jax.ShapeDtypeStruct((LIMIT,), jnp.int32),
        jax.ShapeDtypeStruct((LIMIT,), jnp.int32),
        jax.ShapeDtypeStruct((LIMIT,), jnp.float32),
        jax.ShapeDtypeStruct((LIMIT,), jnp.float32),
    ],
    scratch_types=[
        pltpu.VMEM((NB * 16,), jnp.int32),
        pltpu.VMEM((16,), jnp.int32),
        pltpu.VMEM((NB,), jnp.int32),
        pltpu.VMEM((GROWS * 128,), jnp.int32),
        pltpu.VMEM((GROWS * 128,), jnp.int32),
        pltpu.VMEM((NPAD,), jnp.float32),
        pltpu.VMEM((NPAD,), jnp.float32),
        pltpu.VMEM((NPAD,), jnp.float32),
        pltpu.VMEM((NPAD,), jnp.float32),
        pltpu.VMEM((GROWS * 128,), jnp.int32),
        pltpu.VMEM((GROWS * 128,), jnp.int32),
        pltpu.VMEM((GROWS * 128,), jnp.float32),
        pltpu.VMEM((GROWS * 128,), jnp.float32),
        pltpu.SemaphoreType.DMA,
    ],
)


@functools.cache
def _build_phases():
    mesh = plsc.VectorSubcoreMesh(core_axis_name="c", subcore_axis_name="s",
                                  num_cores=NC, num_subcores=NW // NC)
    params = pltpu.CompilerParams(needs_layout_passes=False,
                                  disable_bounds_checks=True)
    phase1 = pl.kernel(_phase1_body, mesh=mesh, compiler_params=params,
                       **_PHASE1_KWARGS)
    phase2 = pl.kernel(_phase2_body, mesh=mesh, compiler_params=params,
                       **_PHASE2_KWARGS)
    return phase1, phase2


def kernel(boxes, limit):
    boxes = boxes.astype(jnp.float32)
    padlo = jnp.full((NPAD - N,), 2e9, jnp.float32)
    padhi = jnp.full((NPAD - N,), -2e9, jnp.float32)
    xmin = jnp.concatenate([boxes[:, 0], padlo])
    ymin = jnp.concatenate([boxes[:, 1], padlo])
    xmax = jnp.concatenate([boxes[:, 2], padhi])
    ymax = jnp.concatenate([boxes[:, 3], padhi])
    bounds = jnp.asarray(_BOUNDS + [N] * (144 - len(_BOUNDS)), jnp.int32)
    lim = jnp.minimum(jnp.asarray(limit, jnp.int32), LIMIT)
    lim16 = jnp.full((16,), lim, jnp.int32)

    phase1, phase2 = _build_phases()
    counts, eg = phase1(xmin, ymin, xmax, ymax, bounds)
    oi, oj, opx, opy = phase2(counts, eg, xmin, ymin, xmax, ymax, lim16)

    pairs = jnp.stack([oi, oj], axis=-1)
    pen = jnp.stack([opx, opy], axis=-1)
    return pairs, pen

# --- scband reference (transcript-rebuilt; emitter-appended) ---
"""Pipeline reference for scband-naive-collider-18459769438923 (READ-ONLY COPY).

The authoritative reference and input builder live on the scoring server;
editing this copy changes nothing except your own understanding.
"""

import jax, jax.numpy as jnp
import numpy as np


def setup_inputs(seed: int = 0) -> dict:
    key = jax.random.key(seed)
    k1, k2 = jax.random.split(key)
    N = 5000
    # bodies are represented by their universal AABBs: [xmin, ymin, xmax, ymax]
    xy = jax.random.uniform(k1, (N, 2), minval=0.0, maxval=100.0)
    wh = jax.random.uniform(k2, (N, 2), minval=0.5, maxval=3.0)
    boxes = jnp.concatenate([xy, xy + wh], axis=-1).astype(jnp.float32)
    return {"boxes": boxes, "limit": 20000}


def reference(boxes, limit):
    # Faithful JAX translation of NaiveCollider broad phase + penetration compute:
    #  - broad_phase: for every ordered pair (i < j), check AABB.collides(a, b)
    #    and emit _BroadCollision(i, j) (or (-1, -1) padding), capped at `limit` pairs
    #    (the original resolve uses limit = 4 * len(bodies)).
    #  - for detected pairs, compute the axis-aligned penetration vector
    #    (analog of a[1].penetrates_with(b[1]) in total_phase), zeros for padding.
    N = boxes.shape[0]
    LIMIT = 20000
    xmin, ymin = boxes[:, 0], boxes[:, 1]
    xmax, ymax = boxes[:, 2], boxes[:, 3]
    # pairwise overlap extents along each axis (positive <=> overlapping on that axis)
    ox = jnp.minimum(xmax[:, None], xmax[None, :]) - jnp.maximum(xmin[:, None], xmin[None, :])
    oy = jnp.minimum(ymax[:, None], ymax[None, :]) - jnp.maximum(ymin[:, None], ymin[None, :])
    # a[0] < b[0] condition from _check_aabb_collision: only upper-triangular pairs
    idx_r = jnp.arange(N)
    upper = idx_r[:, None] < idx_r[None, :]
    collide = (ox > 0.0) & (oy > 0.0) & upper
    # make_pairs(..., limit=limit): keep up to `limit` colliding pairs, pad with (-1, -1)
    flat = collide.reshape(-1).astype(jnp.float32)
    vals, idx = jax.lax.top_k(flat, LIMIT)
    i_idx = idx // N
    j_idx = idx % N
    valid = (vals > 0.0) & (jnp.arange(LIMIT) < limit)
    pairs = jnp.where(valid[:, None], jnp.stack([i_idx, j_idx], axis=-1), -1)
    # penetration vectors for the selected pairs (zeros(2,) for non-colliding / padding)
    pen_x = ox[i_idx, j_idx]
    pen_y = oy[i_idx, j_idx]
    pen = jnp.stack([pen_x, pen_y], axis=-1) * valid[:, None].astype(jnp.float32)
    return pairs, pen

if __name__ == "__main__":
    import jax
    _d = setup_inputs()
    print(jax.jit(kernel)(*tuple(_d.values())))

</pallas_src>

<mosaic_0001>
#map = affine_map<(d0, d1) -> (0)>
module attributes {stable_mosaic.version = 14 : i64} {
  func.func @_phase2_body(%arg0: i32, %arg1: i32, %arg2: memref<2048xi32, #tpu.memory_space<hbm>>, %arg3: memref<2621456xi32, #tpu.memory_space<hbm>>, %arg4: memref<5120xf32, #tpu.memory_space<hbm>>, %arg5: memref<5120xf32, #tpu.memory_space<hbm>>, %arg6: memref<5120xf32, #tpu.memory_space<hbm>>, %arg7: memref<5120xf32, #tpu.memory_space<hbm>>, %arg8: memref<16xi32, #tpu.memory_space<hbm>>, %arg9: memref<20000xi32, #tpu.memory_space<hbm>>, %arg10: memref<20000xi32, #tpu.memory_space<hbm>>, %arg11: memref<20000xf32, #tpu.memory_space<hbm>>, %arg12: memref<20000xf32, #tpu.memory_space<hbm>>, %arg13: memref<2048xi32, #tpu.memory_space<vmem>>, %arg14: memref<16xi32, #tpu.memory_space<vmem>>, %arg15: memref<128xi32, #tpu.memory_space<vmem>>, %arg16: memref<768xi32, #tpu.memory_space<vmem>>, %arg17: memref<768xi32, #tpu.memory_space<vmem>>, %arg18: memref<5120xf32, #tpu.memory_space<vmem>>, %arg19: memref<5120xf32, #tpu.memory_space<vmem>>, %arg20: memref<5120xf32, #tpu.memory_space<vmem>>, %arg21: memref<5120xf32, #tpu.memory_space<vmem>>, %arg22: memref<768xi32, #tpu.memory_space<vmem>>, %arg23: memref<768xi32, #tpu.memory_space<vmem>>, %arg24: memref<768xf32, #tpu.memory_space<vmem>>, %arg25: memref<768xf32, #tpu.memory_space<vmem>>, %arg26: memref<!tpu.dma_semaphore, #tpu.memory_space<semaphore_mem>>) attributes {dimension_semantics = [#tpu.dimension_semantics<core_parallel>, #tpu.dimension_semantics<subcore_parallel>], iteration_bounds = array<i64: 2, 16>, scalar_prefetch = 0 : i64, scratch_operands = 14 : i64, tpu.core_type = #tpu.core_type<sc_vector_subcore>, window_params = [{transform_indices = #map}, {transform_indices = #map}, {transform_indices = #map}, {transform_indices = #map}, {transform_indices = #map}, {transform_indices = #map}, {transform_indices = #map}, {transform_indices = #map}, {transform_indices = #map}, {transform_indices = #map}, {transform_indices = #map}]} {
    %mul3A = arith.constant 2 : i32
    %mul3A_0 = arith.muli %arg1, %mul3A : i32
    %add3A = arith.addi %mul3A_0, %arg0 : i32
    %iota3A = tpu.iota {dimensions = array<i32: 0>} : vector<16xi32>
    tpu.enqueue_dma source(%arg4 : memref<5120xf32, #tpu.memory_space<hbm>>) target(%arg18 : memref<5120xf32, #tpu.memory_space<vmem>>) target_semaphore(%arg26 : memref<!tpu.dma_semaphore, #tpu.memory_space<semaphore_mem>>)
    tpu.enqueue_dma source(%arg5 : memref<5120xf32, #tpu.memory_space<hbm>>) target(%arg19 : memref<5120xf32, #tpu.memory_space<vmem>>) target_semaphore(%arg26 : memref<!tpu.dma_semaphore, #tpu.memory_space<semaphore_mem>>)
    tpu.enqueue_dma source(%arg6 : memref<5120xf32, #tpu.memory_space<hbm>>) target(%arg20 : memref<5120xf32, #tpu.memory_space<vmem>>) target_semaphore(%arg26 : memref<!tpu.dma_semaphore, #tpu.memory_space<semaphore_mem>>)
    tpu.enqueue_dma source(%arg7 : memref<5120xf32, #tpu.memory_space<hbm>>) target(%arg21 : memref<5120xf32, #tpu.memory_space<vmem>>) target_semaphore(%arg26 : memref<!tpu.dma_semaphore, #tpu.memory_space<semaphore_mem>>)
    "tpu.region"() ({
      %run_scoped3A = tpu.sem_alloc : memref<!tpu.dma_semaphore, #tpu.memory_space<semaphore_mem>>
      tpu.enqueue_dma source(%arg2 : memref<2048xi32, #tpu.memory_space<hbm>>) target(%arg13 : memref<2048xi32, #tpu.memory_space<vmem>>) target_semaphore(%run_scoped3A : memref<!tpu.dma_semaphore, #tpu.memory_space<semaphore_mem>>)
      tpu.wait_dma2 semaphore(%run_scoped3A : memref<!tpu.dma_semaphore, #tpu.memory_space<semaphore_mem>>) src(%arg2 : memref<2048xi32, #tpu.memory_space<hbm>>) dst(%arg13 : memref<2048xi32, #tpu.memory_space<vmem>>)
      tpu.yield
    }) : () -> ()
    "tpu.region"() ({
      %run_scoped3A = tpu.sem_alloc : memref<!tpu.dma_semaphore, #tpu.memory_space<semaphore_mem>>
      tpu.enqueue_dma source(%arg8 : memref<16xi32, #tpu.memory_space<hbm>>) target(%arg14 : memref<16xi32, #tpu.memory_space<vmem>>) target_semaphore(%run_scoped3A : memref<!tpu.dma_semaphore, #tpu.memory_space<semaphore_mem>>)
      tpu.wait_dma2 semaphore(%run_scoped3A : memref<!tpu.dma_semaphore, #tpu.memory_space<semaphore_mem>>) src(%arg8 : memref<16xi32, #tpu.memory_space<hbm>>) dst(%arg14 : memref<16xi32, #tpu.memory_space<vmem>>)
      tpu.yield
    }) : () -> ()
    %get3A = arith.constant 0 : index
    %get3A_1 = tpu.vector_load %arg14[%get3A] {strides = array<i32>} : memref<16xi32, #tpu.memory_space<vmem>>, vector<16xi32>,
    %eq3A = arith.constant 0 : i32
    %eq3A_2 = vector.broadcast %eq3A : i32 to vector<16xi32>
    %eq3A_3 = arith.cmpi eq, %iota3A, %eq3A_2 : vector<16xi32>
    %jit3A = arith.constant 0 : i32
    %broadcast_in_dim3A = vector.broadcast %jit3A : i32 to vector<16xi32>
    %select_n3A = arith.select %eq3A_3, %get3A_1, %broadcast_in_dim3A : vector<16xi1>, vector<16xi32>
    %reduce_sum3A = arith.constant true
    %reduce_sum3A_4 = vector.broadcast %reduce_sum3A : i1 to vector<16xi1>
    %reduce_sum3A_5 = tpu.scan <sum>, %select_n3A masked %reduce_sum3A_4 : vector<16xi32>, vector<16xi1> -> vector<16xi32>
    %reduce_sum3A_6 = vector.extract %reduce_sum3A_5[15] : i32 from vector<16xi32>
    %mul3A_7 = arith.constant 16 : i32
    %mul3A_8 = vector.broadcast %mul3A_7 : i32 to vector<16xi32>
    %mul3A_9 = arith.muli %iota3A, %mul3A_8 : vector<16xi32>
    %add3A_10 = arith.constant 0 : i32
    %add3A_11 = vector.broadcast %add3A_10 : i32 to vector<16xi32>
    %add3A_12 = arith.addi %add3A_11, %mul3A_9 : vector<16xi32>
    %gather3A = tpu.vector_load_idx %arg13[%add3A_12] : memref<2048xi32, #tpu.memory_space<vmem>>[vector<16xi32>], vector<16xi32>,
    %broadcast_in_dim3A_13 = arith.constant true
    %broadcast_in_dim3A_14 = vector.broadcast %broadcast_in_dim3A_13 : i1 to vector<16xi1>
    %masked_cumsum3A = tpu.scan <sum>, %gather3A masked %broadcast_in_dim3A_14 : vector<16xi32>, vector<16xi1> -> vector<16xi32>
    %sub3A = arith.subi %masked_cumsum3A, %gather3A : vector<16xi32>
    %add3A_15 = arith.constant 0 : i32
    %add3A_16 = vector.broadcast %add3A_15 : i32 to vector<16xi32>
    %add3A_17 = arith.addi %sub3A, %add3A_16 : vector<16xi32>
    %swap3A = arith.constant 0 : index
    %swap3A_18 = tpu.vector_load %arg15[%swap3A] {strides = array<i32>} : memref<128xi32, #tpu.memory_space<vmem>>, vector<16xi32>,
    tpu.vector_store %arg15[%swap3A], %add3A_17 {strides = array<i32>} : memref<128xi32, #tpu.memory_space<vmem>>, vector<16xi32>,
    %reduce_sum3A_19 = arith.constant true
    %reduce_sum3A_20 = vector.broadcast %reduce_sum3A_19 : i1 to vector<16xi1>
    %reduce_sum3A_21 = tpu.scan <sum>, %gather3A masked %reduce_sum3A_20 : vector<16xi32>, vector<16xi1> -> vector<16xi32>
    %reduce_sum3A_22 = vector.extract %reduce_sum3A_21[15] : i32 from vector<16xi32>
    %add3A_23 = arith.constant 0 : i32
    %add3A_24 = arith.addi %add3A_23, %reduce_sum3A_22 : i32
    %mul3A_25 = arith.constant 16 : i32
    %mul3A_26 = vector.broadcast %mul3A_25 : i32 to vector<16xi32>
    %mul3A_27 = arith.muli %iota3A, %mul3A_26 : vector<16xi32>
    %add3A_28 = arith.constant 256 : i32
    %add3A_29 = vector.broadcast %add3A_28 : i32 to vector<16xi32>
    %add3A_30 = arith.addi %add3A_29, %mul3A_27 : vector<16xi32>
    %gather3A_31 = tpu.vector_load_idx %arg13[%add3A_30] : memref<2048xi32, #tpu.memory_space<vmem>>[vector<16xi32>], vector<16xi32>,
    %broadcast_in_dim3A_32 = arith.constant true
    %broadcast_in_dim3A_33 = vector.broadcast %broadcast_in_dim3A_32 : i1 to vector<16xi1>
    %masked_cumsum3A_34 = tpu.scan <sum>, %gather3A_31 masked %broadcast_in_dim3A_33 : vector<16xi32>, vector<16xi1> -> vector<16xi32>
    %sub3A_35 = arith.subi %masked_cumsum3A_34, %gather3A_31 : vector<16xi32>
    %add3A_36 = vector.broadcast %add3A_24 : i32 to vector<16xi32>
    %add3A_37 = arith.addi %sub3A_35, %add3A_36 : vector<16xi32>
    %swap3A_38 = arith.constant 16 : index
    %swap3A_39 = tpu.vector_load %arg15[%swap3A_38] {strides = array<i32>} : memref<128xi32, #tpu.memory_space<vmem>>, vector<16xi32>,
    tpu.vector_store %arg15[%swap3A_38], %add3A_37 {strides = array<i32>} : memref<128xi32, #tpu.memory_space<vmem>>, vector<16xi32>,
    %reduce_sum3A_40 = arith.constant true
    %reduce_sum3A_41 = vector.broadcast %reduce_sum3A_40 : i1 to vector<16xi1>
    %reduce_sum3A_42 = tpu.scan <sum>, %gather3A_31 masked %reduce_sum3A_41 : vector<16xi32>, vector<16xi1> -> vector<16xi32>
    %reduce_sum3A_43 = vector.extract %reduce_sum3A_42[15] : i32 from vector<16xi32>
    %add3A_44 = arith.addi %add3A_24, %reduce_sum3A_43 : i32
    %mul3A_45 = arith.constant 16 : i32
    %mul3A_46 = vector.broadcast %mul3A_45 : i32 to vector<16xi32>
    %mul3A_47 = arith.muli %iota3A, %mul3A_46 : vector<16xi32>
    %add3A_48 = arith.constant 512 : i32
    %add3A_49 = vector.broadcast %add3A_48 : i32 to vector<16xi32>
    %add3A_50 = arith.addi %add3A_49, %mul3A_47 : vector<16xi32>
    %gather3A_51 = tpu.vector_load_idx %arg13[%add3A_50] : memref<2048xi32, #tpu.memory_space<vmem>>[vector<16xi32>], vector<16xi32>,
    %broadcast_in_dim3A_52 = arith.constant true
    %broadcast_in_dim3A_53 = vector.broadcast %broadcast_in_dim3A_52 : i1 to vector<16xi1>
    %masked_cumsum3A_54 = tpu.scan <sum>, %gather3A_51 masked %broadcast_in_dim3A_53 : vector<16xi32>, vector<16xi1> -> vector<16xi32>
    %sub3A_55 = arith.subi %masked_cumsum3A_54, %gather3A_51 : vector<16xi32>
    %add3A_56 = vector.broadcast %add3A_44 : i32 to vector<16xi32>
    %add3A_57 = arith.addi %sub3A_55, %add3A_56 : vector<16xi32>
    %swap3A_58 = arith.constant 32 : index
    %swap3A_59 = tpu.vector_load %arg15[%swap3A_58] {strides = array<i32>} : memref<128xi32, #tpu.memory_space<vmem>>, vector<16xi32>,
    tpu.vector_store %arg15[%swap3A_58], %add3A_57 {strides = array<i32>} : memref<128xi32, #tpu.memory_space<vmem>>, vector<16xi32>,
    %reduce_sum3A_60 = arith.constant true
    %reduce_sum3A_61 = vector.broadcast %reduce_sum3A_60 : i1 to vector<16xi1>
    %reduce_sum3A_62 = tpu.scan <sum>, %gather3A_51 masked %reduce_sum3A_61 : vector<16xi32>, vector<16xi1> -> vector<16xi32>
    %reduce_sum3A_63 = vector.extract %reduce_sum3A_62[15] : i32 from vector<16xi32>
    %add3A_64 = arith.addi %add3A_44, %reduce_sum3A_63 : i32
    %mul3A_65 = arith.constant 16 : i32
    %mul3A_66 = vector.broadcast %mul3A_65 : i32 to vector<16xi32>
    %mul3A_67 = arith.muli %iota3A, %mul3A_66 : vector<16xi32>
    %add3A_68 = arith.constant 768 : i32
    %add3A_69 = vector.broadcast %add3A_68 : i32 to vector<16xi32>
    %add3A_70 = arith.addi %add3A_69, %mul3A_67 : vector<16xi32>
    %gather3A_71 = tpu.vector_load_idx %arg13[%add3A_70] : memref<2048xi32, #tpu.memory_space<vmem>>[vector<16xi32>], vector<16xi32>,
    %broadcast_in_dim3A_72 = arith.constant true
    %broadcast_in_dim3A_73 = vector.broadcast %broadcast_in_dim3A_72 : i1 to vector<16xi1>
    %masked_cumsum3A_74 = tpu.scan <sum>, %gather3A_71 masked %broadcast_in_dim3A_73 : vector<16xi32>, vector<16xi1> -> vector<16xi32>
    %sub3A_75 = arith.subi %masked_cumsum3A_74, %gather3A_71 : vector<16xi32>
    %add3A_76 = vector.broadcast %add3A_64 : i32 to vector<16xi32>
    %add3A_77 = arith.addi %sub3A_75, %add3A_76 : vector<16xi32>
    %swap3A_78 = arith.constant 48 : index
    %swap3A_79 = tpu.vector_load %arg15[%swap3A_78] {strides = array<i32>} : memref<128xi32, #tpu.memory_space<vmem>>, vector<16xi32>,
    tpu.vector_store %arg15[%swap3A_78], %add3A_77 {strides = array<i32>} : memref<128xi32, #tpu.memory_space<vmem>>, vector<16xi32>,
    %reduce_sum3A_80 = arith.constant true
    %reduce_sum3A_81 = vector.broadcast %reduce_sum3A_80 : i1 to vector<16xi1>
    %reduce_sum3A_82 = tpu.scan <sum>, %gather3A_71 masked %reduce_sum3A_81 : vector<16xi32>, vector<16xi1> -> vector<16xi32>
    %reduce_sum3A_83 = vector.extract %reduce_sum3A_82[15] : i32 from vector<16xi32>
    %add3A_84 = arith.addi %add3A_64, %reduce_sum3A_83 : i32
    %mul3A_85 = arith.constant 16 : i32
    %mul3A_86 = vector.broadcast %mul3A_85 : i32 to vector<16xi32>
    %mul3A_87 = arith.muli %iota3A, %mul3A_86 : vector<16xi32>
    %add3A_88 = arith.constant 1024 : i32
    %add3A_89 = vector.broadcast %add3A_88 : i32 to vector<16xi32>
    %add3A_90 = arith.addi %add3A_89, %mul3A_87 : vector<16xi32>
    %gather3A_91 = tpu.vector_load_idx %arg13[%add3A_90] : memref<2048xi32, #tpu.memory_space<vmem>>[vector<16xi32>], vector<16xi32>,
    %broadcast_in_dim3A_92 = arith.constant true
    %broadcast_in_dim3A_93 = vector.broadcast %broadcast_in_dim3A_92 : i1 to vector<16xi1>
    %masked_cumsum3A_94 = tpu.scan <sum>, %gather3A_91 masked %broadcast_in_dim3A_93 : vector<16xi32>, vector<16xi1> -> vector<16xi32>
    %sub3A_95 = arith.subi %masked_cumsum3A_94, %gather3A_91 : vector<16xi32>
    %add3A_96 = vector.broadcast %add3A_84 : i32 to vector<16xi32>
    %add3A_97 = arith.addi %sub3A_95, %add3A_96 : vector<16xi32>
    %swap3A_98 = arith.constant 64 : index
    %swap3A_99 = tpu.vector_load %arg15[%swap3A_98] {strides = array<i32>} : memref<128xi32, #tpu.memory_space<vmem>>, vector<16xi32>,
    tpu.vector_store %arg15[%swap3A_98], %add3A_97 {strides = array<i32>} : memref<128xi32, #tpu.memory_space<vmem>>, vector<16xi32>,
    %reduce_sum3A_100 = arith.constant true
    %reduce_sum3A_101 = vector.broadcast %reduce_sum3A_100 : i1 to vector<16xi1>
    %reduce_sum3A_102 = tpu.scan <sum>, %gather3A_91 masked %reduce_sum3A_101 : vector<16xi32>, vector<16xi1> -> vector<16xi32>
    %reduce_sum3A_103 = vector.extract %reduce_sum3A_102[15] : i32 from vector<16xi32>
    %add3A_104 = arith.addi %add3A_84, %reduce_sum3A_103 : i32
    %mul3A_105 = arith.constant 16 : i32
    %mul3A_106 = vector.broadcast %mul3A_105 : i32 to vector<16xi32>
    %mul3A_107 = arith.muli %iota3A, %mul3A_106 : vector<16xi32>
    %add3A_108 = arith.constant 1280 : i32
    %add3A_109 = vector.broadcast %add3A_108 : i32 to vector<16xi32>
    %add3A_110 = arith.addi %add3A_109, %mul3A_107 : vector<16xi32>
    %gather3A_111 = tpu.vector_load_idx %arg13[%add3A_110] : memref<2048xi32, #tpu.memory_space<vmem>>[vector<16xi32>], vector<16xi32>,
    %broadcast_in_dim3A_112 = arith.constant true
    %broadcast_in_dim3A_113 = vector.broadcast %broadcast_in_dim3A_112 : i1 to vector<16xi1>
    %masked_cumsum3A_114 = tpu.scan <sum>, %gather3A_111 masked %broadcast_in_dim3A_113 : vector<16xi32>, vector<16xi1> -> vector<16xi32>
    %sub3A_115 = arith.subi %masked_cumsum3A_114, %gather3A_111 : vector<16xi32>
    %add3A_116 = vector.broadcast %add3A_104 : i32 to vector<16xi32>
    %add3A_117 = arith.addi %sub3A_115, %add3A_116 : vector<16xi32>
    %swap3A_118 = arith.constant 80 : index
    %swap3A_119 = tpu.vector_load %arg15[%swap3A_118] {strides = array<i32>} : memref<128xi32, #tpu.memory_space<vmem>>, vector<16xi32>,
    tpu.vector_store %arg15[%swap3A_118], %add3A_117 {strides = array<i32>} : memref<128xi32, #tpu.memory_space<vmem>>, vector<16xi32>,
    %reduce_sum3A_120 = arith.constant true
    %reduce_sum3A_121 = vector.broadcast %reduce_sum3A_120 : i1 to vector<16xi1>
    %reduce_sum3A_122 = tpu.scan <sum>, %gather3A_111 masked %reduce_sum3A_121 : vector<16xi32>, vector<16xi1> -> vector<16xi32>
    %reduce_sum3A_123 = vector.extract %reduce_sum3A_122[15] : i32 from vector<16xi32>
    %add3A_124 = arith.addi %add3A_104, %reduce_sum3A_123 : i32
    %mul3A_125 = arith.constant 16 : i32
    %mul3A_126 = vector.broadcast %mul3A_125 : i32 to vector<16xi32>
    %mul3A_127 = arith.muli %iota3A, %mul3A_126 : vector<16xi32>
    %add3A_128 = arith.constant 1536 : i32
    %add3A_129 = vector.broadcast %add3A_128 : i32 to vector<16xi32>
    %add3A_130 = arith.addi %add3A_129, %mul3A_127 : vector<16xi32>
    %gather3A_131 = tpu.vector_load_idx %arg13[%add3A_130] : memref<2048xi32, #tpu.memory_space<vmem>>[vector<16xi32>], vector<16xi32>,
    %broadcast_in_dim3A_132 = arith.constant true
    %broadcast_in_dim3A_133 = vector.broadcast %broadcast_in_dim3A_132 : i1 to vector<16xi1>
    %masked_cumsum3A_134 = tpu.scan <sum>, %gather3A_131 masked %broadcast_in_dim3A_133 : vector<16xi32>, vector<16xi1> -> vector<16xi32>
    %sub3A_135 = arith.subi %masked_cumsum3A_134, %gather3A_131 : vector<16xi32>
    %add3A_136 = vector.broadcast %add3A_124 : i32 to vector<16xi32>
    %add3A_137 = arith.addi %sub3A_135, %add3A_136 : vector<16xi32>
    %swap3A_138 = arith.constant 96 : index
    %swap3A_139 = tpu.vector_load %arg15[%swap3A_138] {strides = array<i32>} : memref<128xi32, #tpu.memory_space<vmem>>, vector<16xi32>,
    tpu.vector_store %arg15[%swap3A_138], %add3A_137 {strides = array<i32>} : memref<128xi32, #tpu.memory_space<vmem>>, vector<16xi32>,
    %reduce_sum3A_140 = arith.constant true
    %reduce_sum3A_141 = vector.broadcast %reduce_sum3A_140 : i1 to vector<16xi1>
    %reduce_sum3A_142 = tpu.scan <sum>, %gather3A_131 masked %reduce_sum3A_141 : vector<16xi32>, vector<16xi1> -> vector<16xi32>
    %reduce_sum3A_143 = vector.extract %reduce_sum3A_142[15] : i32 from vector<16xi32>
    %add3A_144 = arith.addi %add3A_124, %reduce_sum3A_143 : i32
    %mul3A_145 = arith.constant 16 : i32
    %mul3A_146 = vector.broadcast %mul3A_145 : i32 to vector<16xi32>
    %mul3A_147 = arith.muli %iota3A, %mul3A_146 : vector<16xi32>
    %add3A_148 = arith.constant 1792 : i32
    %add3A_149 = vector.broadcast %add3A_148 : i32 to vector<16xi32>
    %add3A_150 = arith.addi %add3A_149, %mul3A_147 : vector<16xi32>
    %gather3A_151 = tpu.vector_load_idx %arg13[%add3A_150] : memref<2048xi32, #tpu.memory_space<vmem>>[vector<16xi32>], vector<16xi32>,
    %broadcast_in_dim3A_152 = arith.constant true
    %broadcast_in_dim3A_153 = vector.broadcast %broadcast_in_dim3A_152 : i1 to vector<16xi1>
    %masked_cumsum3A_154 = tpu.scan <sum>, %gather3A_151 masked %broadcast_in_dim3A_153 : vector<16xi32>, vector<16xi1> -> vector<16xi32>
    %sub3A_155 = arith.subi %masked_cumsum3A_154, %gather3A_151 : vector<16xi32>
    %add3A_156 = vector.broadcast %add3A_144 : i32 to vector<16xi32>
    %add3A_157 = arith.addi %sub3A_155, %add3A_156 : vector<16xi32>
    %swap3A_158 = arith.constant 112 : index
    %swap3A_159 = tpu.vector_load %arg15[%swap3A_158] {strides = array<i32>} : memref<128xi32, #tpu.memory_space<vmem>>, vector<16xi32>,
    tpu.vector_store %arg15[%swap3A_158], %add3A_157 {strides = array<i32>} : memref<128xi32, #tpu.memory_space<vmem>>, vector<16xi32>,
    %reduce_sum3A_160 = arith.constant true
    %reduce_sum3A_161 = vector.broadcast %reduce_sum3A_160 : i1 to vector<16xi1>
    %reduce_sum3A_162 = tpu.scan <sum>, %gather3A_151 masked %reduce_sum3A_161 : vector<16xi32>, vector<16xi1> -> vector<16xi32>
    %reduce_sum3A_163 = vector.extract %reduce_sum3A_162[15] : i32 from vector<16xi32>
    %add3A_164 = arith.addi %add3A_144, %reduce_sum3A_163 : i32
    %min3A = arith.minsi %add3A_164, %reduce_sum3A_6 : i32
    %mul3A_165 = arith.constant 624 : i32
    %mul3A_166 = arith.muli %add3A, %mul3A_165 : i32
    %scan3A = arith.constant 0 : i32
    %scan3A_167 = arith.constant 0 : i32
    %scan3A_168 = arith.constant 48 : i32
    %scan3A_169 = arith.addi %scan3A_167, %scan3A_168 : i32
    %scan3A_170 = arith.constant 1 : i32
    %scan3A_171 = scf.for %scan3A_301 = %scan3A_167 to %scan3A_169 step %scan3A_170 iter_args(%scan3A_302 = %scan3A) -> (i32)  : i32 {
      %mul3A_303 = arith.constant 16 : i32
      %mul3A_304 = arith.muli %scan3A_301, %mul3A_303 : i32
      %add3A_305 = arith.addi %mul3A_166, %mul3A_304 : i32
      %add3A_306 = vector.broadcast %add3A_305 : i32 to vector<16xi32>
      %add3A_307 = arith.addi %add3A_306, %iota3A : vector<16xi32>
      %broadcast_in_dim3A_308 = arith.constant 0 : i32
      %broadcast_in_dim3A_309 = vector.broadcast %broadcast_in_dim3A_308 : i32 to vector<16xi32>
      %broadcast_in_dim3A_310 = arith.constant 128 : i32
      %broadcast_in_dim3A_311 = vector.broadcast %broadcast_in_dim3A_310 : i32 to vector<16xi32>
      %add3A_312 = arith.addi %broadcast_in_dim3A_309, %broadcast_in_dim3A_311 : vector<16xi32>
      %shift_right_arithmetic3A = arith.constant 1 : i32
      %shift_right_arithmetic3A_313 = vector.broadcast %shift_right_arithmetic3A : i32 to vector<16xi32>
      %shift_right_arithmetic3A_314 = arith.shrsi %add3A_312, %shift_right_arithmetic3A_313 : vector<16xi32>
      %gather3A_315 = tpu.vector_load_idx %arg15[%shift_right_arithmetic3A_314] : memref<128xi32, #tpu.memory_space<vmem>>[vector<16xi32>], vector<16xi32>,
      %ge3A = arith.cmpi sge, %add3A_307, %gather3A_315 : vector<16xi32>
      %select_n3A_316 = arith.select %ge3A, %shift_right_arithmetic3A_314, %broadcast_in_dim3A_309 : vector<16xi1>, vector<16xi32>
      %select_n3A_317 = arith.select %ge3A, %broadcast_in_dim3A_311, %shift_right_arithmetic3A_314 : vector<16xi1>, vector<16xi32>
      %add3A_318 = arith.addi %select_n3A_316, %select_n3A_317 : vector<16xi32>
      %shift_right_arithmetic3A_319 = arith.constant 1 : i32
      %shift_right_arithmetic3A_320 = vector.broadcast %shift_right_arithmetic3A_319 : i32 to vector<16xi32>
      %shift_right_arithmetic3A_321 = arith.shrsi %add3A_318, %shift_right_arithmetic3A_320 : vector<16xi32>
      %gather3A_322 = tpu.vector_load_idx %arg15[%shift_right_arithmetic3A_321] : memref<128xi32, #tpu.memory_space<vmem>>[vector<16xi32>], vector<16xi32>,
      %ge3A_323 = arith.cmpi sge, %add3A_307, %gather3A_322 : vector<16xi32>
      %select_n3A_324 = arith.select %ge3A_323, %shift_right_arithmetic3A_321, %select_n3A_316 : vector<16xi1>, vector<16xi32>
      %select_n3A_325 = arith.select %ge3A_323, %select_n3A_317, %shift_right_arithmetic3A_321 : vector<16xi1>, vector<16xi32>
      %add3A_326 = arith.addi %select_n3A_324, %select_n3A_325 : vector<16xi32>
      %shift_right_arithmetic3A_327 = arith.constant 1 : i32
      %shift_right_arithmetic3A_328 = vector.broadcast %shift_right_arithmetic3A_327 : i32 to vector<16xi32>
      %shift_right_arithmetic3A_329 = arith.shrsi %add3A_326, %shift_right_arithmetic3A_328 : vector<16xi32>
      %gather3A_330 = tpu.vector_load_idx %arg15[%shift_right_arithmetic3A_329] : memref<128xi32, #tpu.memory_space<vmem>>[vector<16xi32>], vector<16xi32>,
      %ge3A_331 = arith.cmpi sge, %add3A_307, %gather3A_330 : vector<16xi32>
      %select_n3A_332 = arith.select %ge3A_331, %shift_right_arithmetic3A_329, %select_n3A_324 : vector<16xi1>, vector<16xi32>
      %select_n3A_333 = arith.select %ge3A_331, %select_n3A_325, %shift_right_arithmetic3A_329 : vector<16xi1>, vector<16xi32>
      %add3A_334 = arith.addi %select_n3A_332, %select_n3A_333 : vector<16xi32>
      %shift_right_arithmetic3A_335 = arith.constant 1 : i32
      %shift_right_arithmetic3A_336 = vector.broadcast %shift_right_arithmetic3A_335 : i32 to vector<16xi32>
      %shift_right_arithmetic3A_337 = arith.shrsi %add3A_334, %shift_right_arithmetic3A_336 : vector<16xi32>
      %gather3A_338 = tpu.vector_load_idx %arg15[%shift_right_arithmetic3A_337] : memref<128xi32, #tpu.memory_space<vmem>>[vector<16xi32>], vector<16xi32>,
      %ge3A_339 = arith.cmpi sge, %add3A_307, %gather3A_338 : vector<16xi32>
      %select_n3A_340 = arith.select %ge3A_339, %shift_right_arithmetic3A_337, %select_n3A_332 : vector<16xi1>, vector<16xi32>
      %select_n3A_341 = arith.select %ge3A_339, %select_n3A_333, %shift_right_arithmetic3A_337 : vector<16xi1>, vector<16xi32>
      %add3A_342 = arith.addi %select_n3A_340, %select_n3A_341 : vector<16xi32>
      %shift_right_arithmetic3A_343 = arith.constant 1 : i32
      %shift_right_arithmetic3A_344 = vector.broadcast %shift_right_arithmetic3A_343 : i32 to vector<16xi32>
      %shift_right_arithmetic3A_345 = arith.shrsi %add3A_342, %shift_right_arithmetic3A_344 : vector<16xi32>
      %gather3A_346 = tpu.vector_load_idx %arg15[%shift_right_arithmetic3A_345] : memref<128xi32, #tpu.memory_space<vmem>>[vector<16xi32>], vector<16xi32>,
      %ge3A_347 = arith.cmpi sge, %add3A_307, %gather3A_346 : vector<16xi32>
      %select_n3A_348 = arith.select %ge3A_347, %shift_right_arithmetic3A_345, %select_n3A_340 : vector<16xi1>, vector<16xi32>
      %select_n3A_349 = arith.select %ge3A_347, %select_n3A_341, %shift_right_arithmetic3A_345 : vector<16xi1>, vector<16xi32>
      %add3A_350 = arith.addi %select_n3A_348, %select_n3A_349 : vector<16xi32>
      %shift_right_arithmetic3A_351 = arith.constant 1 : i32
      %shift_right_arithmetic3A_352 = vector.broadcast %shift_right_arithmetic3A_351 : i32 to vector<16xi32>
      %shift_right_arithmetic3A_353 = arith.shrsi %add3A_350, %shift_right_arithmetic3A_352 : vector<16xi32>
      %gather3A_354 = tpu.vector_load_idx %arg15[%shift_right_arithmetic3A_353] : memref<128xi32, #tpu.memory_space<vmem>>[vector<16xi32>], vector<16xi32>,
      %ge3A_355 = arith.cmpi sge, %add3A_307, %gather3A_354 : vector<16xi32>
      %select_n3A_356 = arith.select %ge3A_355, %shift_right_arithmetic3A_353, %select_n3A_348 : vector<16xi1>, vector<16xi32>
      %select_n3A_357 = arith.select %ge3A_355, %select_n3A_349, %shift_right_arithmetic3A_353 : vector<16xi1>, vector<16xi32>
      %add3A_358 = arith.addi %select_n3A_356, %select_n3A_357 : vector<16xi32>
      %shift_right_arithmetic3A_359 = arith.constant 1 : i32
      %shift_right_arithmetic3A_360 = vector.broadcast %shift_right_arithmetic3A_359 : i32 to vector<16xi32>
      %shift_right_arithmetic3A_361 = arith.shrsi %add3A_358, %shift_right_arithmetic3A_360 : vector<16xi32>
      %gather3A_362 = tpu.vector_load_idx %arg15[%shift_right_arithmetic3A_361] : memref<128xi32, #tpu.memory_space<vmem>>[vector<16xi32>], vector<16xi32>,
      %ge3A_363 = arith.cmpi sge, %add3A_307, %gather3A_362 : vector<16xi32>
      %select_n3A_364 = arith.select %ge3A_363, %shift_right_arithmetic3A_361, %select_n3A_356 : vector<16xi1>, vector<16xi32>
      %select_n3A_365 = arith.select %ge3A_363, %select_n3A_357, %shift_right_arithmetic3A_361 : vector<16xi1>, vector<16xi32>
      %gather3A_366 = tpu.vector_load_idx %arg15[%select_n3A_364] : memref<128xi32, #tpu.memory_space<vmem>>[vector<16xi32>], vector<16xi32>,
      %mul3A_367 = arith.constant 20480 : i32
      %mul3A_368 = vector.broadcast %mul3A_367 : i32 to vector<16xi32>
      %mul3A_369 = arith.muli %select_n3A_364, %mul3A_368 : vector<16xi32>
      %add3A_370 = arith.addi %mul3A_369, %add3A_307 : vector<16xi32>
      %sub3A_371 = arith.subi %add3A_370, %gather3A_366 : vector<16xi32>
      %lt3A = vector.broadcast %min3A : i32 to vector<16xi32>
      %lt3A_372 = arith.cmpi slt, %add3A_307, %lt3A : vector<16xi32>
      %add3A_373 = arith.constant 2621440 : i32
      %add3A_374 = vector.broadcast %add3A_373 : i32 to vector<16xi32>
      %add3A_375 = arith.addi %add3A_374, %iota3A : vector<16xi32>
      %select_n3A_376 = arith.select %lt3A_372, %sub3A_371, %add3A_375 : vector<16xi1>, vector<16xi32>
      %mul3A_377 = arith.constant 16 : i32
      %mul3A_378 = arith.muli %scan3A_301, %mul3A_377 : i32
      %swap3A_379 = arith.index_cast %mul3A_378 : i32 to index
      %swap3A_380 = tpu.vector_load %arg16[%swap3A_379] {strides = array<i32>} : memref<768xi32, #tpu.memory_space<vmem>>, vector<16xi32>,
      tpu.vector_store %arg16[%swap3A_379], %select_n3A_376 {strides = array<i32>} : memref<768xi32, #tpu.memory_space<vmem>>, vector<16xi32>,
      %scan3A_381 = arith.constant 0 : i32
      scf.yield %scan3A_381 : i32
    }
    %scan3A_172 = arith.constant 48 : i32
    %dma_start3A = arith.constant 0 : i32
    %dma_start3A_173 = tpu.memref_slice %arg17[%dma_start3A] : memref<768xi32, #tpu.memory_space<vmem>> -> memref<128xi32, #tpu.memory_space<vmem>>
    %dma_start3A_174 = arith.constant 0 : i32
    %dma_start3A_175 = tpu.memref_slice %arg16[%dma_start3A_174] : memref<768xi32, #tpu.memory_space<vmem>> -> memref<128xi32, #tpu.memory_space<vmem>>
    %dma_start3A_176 = arith.constant 0 : i32
    %dma_start3A_177 = tpu.memref_slice %arg3[%dma_start3A_176] : memref<2621456xi32, #tpu.memory_space<hbm>> -> memref<2621456xi32, #tpu.memory_space<hbm>>
    tpu.enqueue_indirect_dma source(%dma_start3A_177 : memref<2621456xi32, #tpu.memory_space<hbm>>) target(%dma_start3A_173 : memref<128xi32, #tpu.memory_space<vmem>>) offsets(%dma_start3A_175 : memref<128xi32, #tpu.memory_space<vmem>>) semaphore(%arg26 : memref<!tpu.dma_semaphore, #tpu.memory_space<semaphore_mem>>)
    %dma_start3A_178 = arith.constant 128 : i32
    %dma_start3A_179 = tpu.memref_slice %arg17[%dma_start3A_178] : memref<768xi32, #tpu.memory_space<vmem>> -> memref<128xi32, #tpu.memory_space<vmem>>
    %dma_start3A_180 = arith.constant 128 : i32
    %dma_start3A_181 = tpu.memref_slice %arg16[%dma_start3A_180] : memref<768xi32, #tpu.memory_space<vmem>> -> memref<128xi32, #tpu.memory_space<vmem>>
    %dma_start3A_182 = arith.constant 0 : i32
    %dma_start3A_183 = tpu.memref_slice %arg3[%dma_start3A_182] : memref<2621456xi32, #tpu.memory_space<hbm>> -> memref<2621456xi32, #tpu.memory_space<hbm>>
    tpu.enqueue_indirect_dma source(%dma_start3A_183 : memref<2621456xi32, #tpu.memory_space<hbm>>) target(%dma_start3A_179 : memref<128xi32, #tpu.memory_space<vmem>>) offsets(%dma_start3A_181 : memref<128xi32, #tpu.memory_space<vmem>>) semaphore(%arg26 : memref<!tpu.dma_semaphore, #tpu.memory_space<semaphore_mem>>)
    %dma_start3A_184 = arith.constant 256 : i32
    %dma_start3A_185 = tpu.memref_slice %arg17[%dma_start3A_184] : memref<768xi32, #tpu.memory_space<vmem>> -> memref<128xi32, #tpu.memory_space<vmem>>
    %dma_start3A_186 = arith.constant 256 : i32
    %dma_start3A_187 = tpu.memref_slice %arg16[%dma_start3A_186] : memref<768xi32, #tpu.memory_space<vmem>> -> memref<128xi32, #tpu.memory_space<vmem>>
    %dma_start3A_188 = arith.constant 0 : i32
    %dma_start3A_189 = tpu.memref_slice %arg3[%dma_start3A_188] : memref<2621456xi32, #tpu.memory_space<hbm>> -> memref<2621456xi32, #tpu.memory_space<hbm>>
    tpu.enqueue_indirect_dma source(%dma_start3A_189 : memref<2621456xi32, #tpu.memory_space<hbm>>) target(%dma_start3A_185 : memref<128xi32, #tpu.memory_space<vmem>>) offsets(%dma_start3A_187 : memref<128xi32, #tpu.memory_space<vmem>>) semaphore(%arg26 : memref<!tpu.dma_semaphore, #tpu.memory_space<semaphore_mem>>)
    %dma_start3A_190 = arith.constant 384 : i32
    %dma_start3A_191 = tpu.memref_slice %arg17[%dma_start3A_190] : memref<768xi32, #tpu.memory_space<vmem>> -> memref<128xi32, #tpu.memory_space<vmem>>
    %dma_start3A_192 = arith.constant 384 : i32
    %dma_start3A_193 = tpu.memref_slice %arg16[%dma_start3A_192] : memref<768xi32, #tpu.memory_space<vmem>> -> memref<128xi32, #tpu.memory_space<vmem>>
    %dma_start3A_194 = arith.constant 0 : i32
    %dma_start3A_195 = tpu.memref_slice %arg3[%dma_start3A_194] : memref<2621456xi32, #tpu.memory_space<hbm>> -> memref<2621456xi32, #tpu.memory_space<hbm>>
    tpu.enqueue_indirect_dma source(%dma_start3A_195 : memref<2621456xi32, #tpu.memory_space<hbm>>) target(%dma_start3A_191 : memref<128xi32, #tpu.memory_space<vmem>>) offsets(%dma_start3A_193 : memref<128xi32, #tpu.memory_space<vmem>>) semaphore(%arg26 : memref<!tpu.dma_semaphore, #tpu.memory_space<semaphore_mem>>)
    %dma_start3A_196 = arith.constant 512 : i32
    %dma_start3A_197 = tpu.memref_slice %arg17[%dma_start3A_196] : memref<768xi32, #tpu.memory_space<vmem>> -> memref<128xi32, #tpu.memory_space<vmem>>
    %dma_start3A_198 = arith.constant 512 : i32
    %dma_start3A_199 = tpu.memref_slice %arg16[%dma_start3A_198] : memref<768xi32, #tpu.memory_space<vmem>> -> memref<128xi32, #tpu.memory_space<vmem>>
    %dma_start3A_200 = arith.constant 0 : i32
    %dma_start3A_201 = tpu.memref_slice %arg3[%dma_start3A_200] : memref<2621456xi32, #tpu.memory_space<hbm>> -> memref<2621456xi32, #tpu.memory_space<hbm>>
    tpu.enqueue_indirect_dma source(%dma_start3A_201 : memref<2621456xi32, #tpu.memory_space<hbm>>) target(%dma_start3A_197 : memref<128xi32, #tpu.memory_space<vmem>>) offsets(%dma_start3A_199 : memref<128xi32, #tpu.memory_space<vmem>>) semaphore(%arg26 : memref<!tpu.dma_semaphore, #tpu.memory_space<semaphore_mem>>)
    %dma_start3A_202 = arith.constant 640 : i32
    %dma_start3A_203 = tpu.memref_slice %arg17[%dma_start3A_202] : memref<768xi32, #tpu.memory_space<vmem>> -> memref<128xi32, #tpu.memory_space<vmem>>
    %dma_start3A_204 = arith.constant 640 : i32
    %dma_start3A_205 = tpu.memref_slice %arg16[%dma_start3A_204] : memref<768xi32, #tpu.memory_space<vmem>> -> memref<128xi32, #tpu.memory_space<vmem>>
    %dma_start3A_206 = arith.constant 0 : i32
    %dma_start3A_207 = tpu.memref_slice %arg3[%dma_start3A_206] : memref<2621456xi32, #tpu.memory_space<hbm>> -> memref<2621456xi32, #tpu.memory_space<hbm>>
    tpu.enqueue_indirect_dma source(%dma_start3A_207 : memref<2621456xi32, #tpu.memory_space<hbm>>) target(%dma_start3A_203 : memref<128xi32, #tpu.memory_space<vmem>>) offsets(%dma_start3A_205 : memref<128xi32, #tpu.memory_space<vmem>>) semaphore(%arg26 : memref<!tpu.dma_semaphore, #tpu.memory_space<semaphore_mem>>)
    %dma_wait3A = arith.constant 0 : i32
    %dma_wait3A_208 = tpu.memref_slice %arg17[%dma_wait3A] : memref<768xi32, #tpu.memory_space<vmem>> -> memref<128xi32, #tpu.memory_space<vmem>>
    %dma_wait3A_209 = arith.constant 0 : i32
    %dma_wait3A_210 = tpu.memref_slice %arg16[%dma_wait3A_209] : memref<768xi32, #tpu.memory_space<vmem>> -> memref<128xi32, #tpu.memory_space<vmem>>
    %dma_wait3A_211 = arith.constant 0 : i32
    %dma_wait3A_212 = tpu.memref_slice %arg3[%dma_wait3A_211] : memref<2621456xi32, #tpu.memory_space<hbm>> -> memref<2621456xi32, #tpu.memory_space<hbm>>
    tpu.wait_indirect_dma semaphore(%arg26 : memref<!tpu.dma_semaphore, #tpu.memory_space<semaphore_mem>>) src(%dma_wait3A_212 : memref<2621456xi32, #tpu.memory_space<hbm>>) dst(%dma_wait3A_208 : memref<128xi32, #tpu.memory_space<vmem>>)
    %dma_wait3A_213 = arith.constant 128 : i32
    %dma_wait3A_214 = tpu.memref_slice %arg17[%dma_wait3A_213] : memref<768xi32, #tpu.memory_space<vmem>> -> memref<128xi32, #tpu.memory_space<vmem>>
    %dma_wait3A_215 = arith.constant 128 : i32
    %dma_wait3A_216 = tpu.memref_slice %arg16[%dma_wait3A_215] : memref<768xi32, #tpu.memory_space<vmem>> -> memref<128xi32, #tpu.memory_space<vmem>>
    %dma_wait3A_217 = arith.constant 0 : i32
    %dma_wait3A_218 = tpu.memref_slice %arg3[%dma_wait3A_217] : memref<2621456xi32, #tpu.memory_space<hbm>> -> memref<2621456xi32, #tpu.memory_space<hbm>>
    tpu.wait_indirect_dma semaphore(%arg26 : memref<!tpu.dma_semaphore, #tpu.memory_space<semaphore_mem>>) src(%dma_wait3A_218 : memref<2621456xi32, #tpu.memory_space<hbm>>) dst(%dma_wait3A_214 : memref<128xi32, #tpu.memory_space<vmem>>)
    %dma_wait3A_219 = arith.constant 256 : i32
    %dma_wait3A_220 = tpu.memref_slice %arg17[%dma_wait3A_219] : memref<768xi32, #tpu.memory_space<vmem>> -> memref<128xi32, #tpu.memory_space<vmem>>
    %dma_wait3A_221 = arith.constant 256 : i32
    %dma_wait3A_222 = tpu.memref_slice %arg16[%dma_wait3A_221] : memref<768xi32, #tpu.memory_space<vmem>> -> memref<128xi32, #tpu.memory_space<vmem>>
    %dma_wait3A_223 = arith.constant 0 : i32
    %dma_wait3A_224 = tpu.memref_slice %arg3[%dma_wait3A_223] : memref<2621456xi32, #tpu.memory_space<hbm>> -> memref<2621456xi32, #tpu.memory_space<hbm>>
    tpu.wait_indirect_dma semaphore(%arg26 : memref<!tpu.dma_semaphore, #tpu.memory_space<semaphore_mem>>) src(%dma_wait3A_224 : memref<2621456xi32, #tpu.memory_space<hbm>>) dst(%dma_wait3A_220 : memref<128xi32, #tpu.memory_space<vmem>>)
    %dma_wait3A_225 = arith.constant 384 : i32
    %dma_wait3A_226 = tpu.memref_slice %arg17[%dma_wait3A_225] : memref<768xi32, #tpu.memory_space<vmem>> -> memref<128xi32, #tpu.memory_space<vmem>>
    %dma_wait3A_227 = arith.constant 384 : i32
    %dma_wait3A_228 = tpu.memref_slice %arg16[%dma_wait3A_227] : memref<768xi32, #tpu.memory_space<vmem>> -> memref<128xi32, #tpu.memory_space<vmem>>
    %dma_wait3A_229 = arith.constant 0 : i32
    %dma_wait3A_230 = tpu.memref_slice %arg3[%dma_wait3A_229] : memref<2621456xi32, #tpu.memory_space<hbm>> -> memref<2621456xi32, #tpu.memory_space<hbm>>
    tpu.wait_indirect_dma semaphore(%arg26 : memref<!tpu.dma_semaphore, #tpu.memory_space<semaphore_mem>>) src(%dma_wait3A_230 : memref<2621456xi32, #tpu.memory_space<hbm>>) dst(%dma_wait3A_226 : memref<128xi32, #tpu.memory_space<vmem>>)
    %dma_wait3A_231 = arith.constant 512 : i32
    %dma_wait3A_232 = tpu.memref_slice %arg17[%dma_wait3A_231] : memref<768xi32, #tpu.memory_space<vmem>> -> memref<128xi32, #tpu.memory_space<vmem>>
    %dma_wait3A_233 = arith.constant 512 : i32
    %dma_wait3A_234 = tpu.memref_slice %arg16[%dma_wait3A_233] : memref<768xi32, #tpu.memory_space<vmem>> -> memref<128xi32, #tpu.memory_space<vmem>>
    %dma_wait3A_235 = arith.constant 0 : i32
    %dma_wait3A_236 = tpu.memref_slice %arg3[%dma_wait3A_235] : memref<2621456xi32, #tpu.memory_space<hbm>> -> memref<2621456xi32, #tpu.memory_space<hbm>>
    tpu.wait_indirect_dma semaphore(%arg26 : memref<!tpu.dma_semaphore, #tpu.memory_space<semaphore_mem>>) src(%dma_wait3A_236 : memref<2621456xi32, #tpu.memory_space<hbm>>) dst(%dma_wait3A_232 : memref<128xi32, #tpu.memory_space<vmem>>)
    %dma_wait3A_237 = arith.constant 640 : i32
    %dma_wait3A_238 = tpu.memref_slice %arg17[%dma_wait3A_237] : memref<768xi32, #tpu.memory_space<vmem>> -> memref<128xi32, #tpu.memory_space<vmem>>
    %dma_wait3A_239 = arith.constant 640 : i32
    %dma_wait3A_240 = tpu.memref_slice %arg16[%dma_wait3A_239] : memref<768xi32, #tpu.memory_space<vmem>> -> memref<128xi32, #tpu.memory_space<vmem>>
    %dma_wait3A_241 = arith.constant 0 : i32
    %dma_wait3A_242 = tpu.memref_slice %arg3[%dma_wait3A_241] : memref<2621456xi32, #tpu.memory_space<hbm>> -> memref<2621456xi32, #tpu.memory_space<hbm>>
    tpu.wait_indirect_dma semaphore(%arg26 : memref<!tpu.dma_semaphore, #tpu.memory_space<semaphore_mem>>) src(%dma_wait3A_242 : memref<2621456xi32, #tpu.memory_space<hbm>>) dst(%dma_wait3A_238 : memref<128xi32, #tpu.memory_space<vmem>>)
    tpu.wait_dma2 semaphore(%arg26 : memref<!tpu.dma_semaphore, #tpu.memory_space<semaphore_mem>>) src(%arg4 : memref<5120xf32, #tpu.memory_space<hbm>>) dst(%arg18 : memref<5120xf32, #tpu.memory_space<vmem>>)
    tpu.wait_dma2 semaphore(%arg26 : memref<!tpu.dma_semaphore, #tpu.memory_space<semaphore_mem>>) src(%arg5 : memref<5120xf32, #tpu.memory_space<hbm>>) dst(%arg19 : memref<5120xf32, #tpu.memory_space<vmem>>)
    tpu.wait_dma2 semaphore(%arg26 : memref<!tpu.dma_semaphore, #tpu.memory_space<semaphore_mem>>) src(%arg6 : memref<5120xf32, #tpu.memory_space<hbm>>) dst(%arg20 : memref<5120xf32, #tpu.memory_space<vmem>>)
    tpu.wait_dma2 semaphore(%arg26 : memref<!tpu.dma_semaphore, #tpu.memory_space<semaphore_mem>>) src(%arg7 : memref<5120xf32, #tpu.memory_space<hbm>>) dst(%arg21 : memref<5120xf32, #tpu.memory_space<vmem>>)
    %scan3A_243 = arith.constant 0 : i32
    %scan3A_244 = arith.constant 0 : i32
    %scan3A_245 = arith.constant 48 : i32
    %scan3A_246 = arith.addi %scan3A_244, %scan3A_245 : i32
    %scan3A_247 = arith.constant 1 : i32
    %scan3A_248 = scf.for %scan3A_301 = %scan3A_244 to %scan3A_246 step %scan3A_247 iter_args(%scan3A_302 = %scan3A_243) -> (i32)  : i32 {
      %mul3A_303 = arith.constant 16 : i32
      %mul3A_304 = arith.muli %scan3A_301, %mul3A_303 : i32
      %get3A_305 = arith.index_cast %mul3A_304 : i32 to index
      %get3A_306 = tpu.vector_load %arg17[%get3A_305] {strides = array<i32>} : memref<768xi32, #tpu.memory_space<vmem>>, vector<16xi32>,
      %shift_right_arithmetic3A = arith.constant 13 : i32
      %shift_right_arithmetic3A_307 = vector.broadcast %shift_right_arithmetic3A : i32 to vector<16xi32>
      %shift_right_arithmetic3A_308 = arith.shrsi %get3A_306, %shift_right_arithmetic3A_307 : vector<16xi32>
      %and3A = arith.constant 8191 : i32
      %and3A_309 = vector.broadcast %and3A : i32 to vector<16xi32>
      %and3A_310 = arith.andi %get3A_306, %and3A_309 : vector<16xi32>
      %lt3A = arith.constant 0 : i32
      %lt3A_311 = vector.broadcast %lt3A : i32 to vector<16xi32>
      %lt3A_312 = arith.cmpi slt, %get3A_306, %lt3A_311 : vector<16xi32>
      %jit3A_313 = arith.constant -1 : i32
      %broadcast_in_dim3A_314 = vector.broadcast %jit3A_313 : i32 to vector<16xi32>
      %select_n3A_315 = arith.select %lt3A_312, %broadcast_in_dim3A_314, %and3A_310 : vector<16xi1>, vector<16xi32>
      %max3A = arith.constant 0 : i32
      %max3A_316 = vector.broadcast %max3A : i32 to vector<16xi32>
      %max3A_317 = arith.maxsi %shift_right_arithmetic3A_308, %max3A_316 : vector<16xi32>
      %max3A_318 = arith.constant 0 : i32
      %max3A_319 = vector.broadcast %max3A_318 : i32 to vector<16xi32>
      %max3A_320 = arith.maxsi %select_n3A_315, %max3A_319 : vector<16xi32>
      %gather3A_321 = tpu.vector_load_idx %arg18[%max3A_317] : memref<5120xf32, #tpu.memory_space<vmem>>[vector<16xi32>], vector<16xf32>,
      %gather3A_322 = tpu.vector_load_idx %arg19[%max3A_317] : memref<5120xf32, #tpu.memory_space<vmem>>[vector<16xi32>], vector<16xf32>,
      %gather3A_323 = tpu.vector_load_idx %arg20[%max3A_317] : memref<5120xf32, #tpu.memory_space<vmem>>[vector<16xi32>], vector<16xf32>,
      %gather3A_324 = tpu.vector_load_idx %arg21[%max3A_317] : memref<5120xf32, #tpu.memory_space<vmem>>[vector<16xi32>], vector<16xf32>,
      %gather3A_325 = tpu.vector_load_idx %arg18[%max3A_320] : memref<5120xf32, #tpu.memory_space<vmem>>[vector<16xi32>], vector<16xf32>,
      %gather3A_326 = tpu.vector_load_idx %arg19[%max3A_320] : memref<5120xf32, #tpu.memory_space<vmem>>[vector<16xi32>], vector<16xf32>,
      %gather3A_327 = tpu.vector_load_idx %arg20[%max3A_320] : memref<5120xf32, #tpu.memory_space<vmem>>[vector<16xi32>], vector<16xf32>,
      %gather3A_328 = tpu.vector_load_idx %arg21[%max3A_320] : memref<5120xf32, #tpu.memory_space<vmem>>[vector<16xi32>], vector<16xf32>,
      %min3A_329 = arith.minimumf %gather3A_323, %gather3A_327 : vector<16xf32>
      %max3A_330 = arith.maximumf %gather3A_321, %gather3A_325 : vector<16xf32>
      %sub3A_331 = arith.subf %min3A_329, %max3A_330 : vector<16xf32>
      %min3A_332 = arith.minimumf %gather3A_324, %gather3A_328 : vector<16xf32>
      %max3A_333 = arith.maximumf %gather3A_322, %gather3A_326 : vector<16xf32>
      %sub3A_334 = arith.subf %min3A_332, %max3A_333 : vector<16xf32>
      %swap3A_335 = arith.index_cast %mul3A_304 : i32 to index
      %swap3A_336 = tpu.vector_load %arg22[%swap3A_335] {strides = array<i32>} : memref<768xi32, #tpu.memory_space<vmem>>, vector<16xi32>,
      tpu.vector_store %arg22[%swap3A_335], %shift_right_arithmetic3A_308 {strides = array<i32>} : memref<768xi32, #tpu.memory_space<vmem>>, vector<16xi32>,
      %swap3A_337 = arith.index_cast %mul3A_304 : i32 to index
      %swap3A_338 = tpu.vector_load %arg23[%swap3A_337] {strides = array<i32>} : memref<768xi32, #tpu.memory_space<vmem>>, vector<16xi32>,
      tpu.vector_store %arg23[%swap3A_337], %select_n3A_315 {strides = array<i32>} : memref<768xi32, #tpu.memory_space<vmem>>, vector<16xi32>,
      %jit3A_339 = arith.constant 0.000000e+00 : f32
      %broadcast_in_dim3A_340 = vector.broadcast %jit3A_339 : f32 to vector<16xf32>
      %select_n3A_341 = arith.select %lt3A_312, %broadcast_in_dim3A_340, %sub3A_331 : vector<16xi1>, vector<16xf32>
      %swap3A_342 = arith.index_cast %mul3A_304 : i32 to index
      %swap3A_343 = tpu.vector_load %arg24[%swap3A_342] {strides = array<i32>} : memref<768xf32, #tpu.memory_space<vmem>>, vector<16xf32>,
      tpu.vector_store %arg24[%swap3A_342], %select_n3A_341 {strides = array<i32>} : memref<768xf32, #tpu.memory_space<vmem>>, vector<16xf32>,
      %jit3A_344 = arith.constant 0.000000e+00 : f32
      %broadcast_in_dim3A_345 = vector.broadcast %jit3A_344 : f32 to vector<16xf32>
      %select_n3A_346 = arith.select %lt3A_312, %broadcast_in_dim3A_345, %sub3A_334 : vector<16xi1>, vector<16xf32>
      %swap3A_347 = arith.index_cast %mul3A_304 : i32 to index
      %swap3A_348 = tpu.vector_load %arg25[%swap3A_347] {strides = array<i32>} : memref<768xf32, #tpu.memory_space<vmem>>, vector<16xf32>,
      tpu.vector_store %arg25[%swap3A_347], %select_n3A_346 {strides = array<i32>} : memref<768xf32, #tpu.memory_space<vmem>>, vector<16xf32>,
      %scan3A_349 = arith.constant 0 : i32
      scf.yield %scan3A_349 : i32
    }
    %scan3A_249 = arith.constant 48 : i32
    %dma_start3A_250 = arith.constant 0 : i32
    %dma_start3A_251 = tpu.memref_slice %arg22[%dma_start3A_250] : memref<768xi32, #tpu.memory_space<vmem>> -> memref<624xi32, #tpu.memory_space<vmem>>
    %dma_start3A_252 = tpu.memref_slice %arg9[%mul3A_166] : memref<20000xi32, #tpu.memory_space<hbm>> -> memref<624xi32, #tpu.memory_space<hbm>>
    %dma_start3A_253 = tpu.memref_slice %arg9[%mul3A_166] : memref<20000xi32, #tpu.memory_space<hbm>> -> memref<624xi32, #tpu.memory_space<hbm>>
    %dma_start3A_254 = arith.constant 0 : i32
    %dma_start3A_255 = tpu.memref_slice %arg22[%dma_start3A_254] : memref<768xi32, #tpu.memory_space<vmem>> -> memref<624xi32, #tpu.memory_space<vmem>>
    tpu.enqueue_dma source(%dma_start3A_255 : memref<624xi32, #tpu.memory_space<vmem>>) target(%dma_start3A_253 : memref<624xi32, #tpu.memory_space<hbm>>) target_semaphore(%arg26 : memref<!tpu.dma_semaphore, #tpu.memory_space<semaphore_mem>>)
    %dma_start3A_256 = arith.constant 0 : i32
    %dma_start3A_257 = tpu.memref_slice %arg23[%dma_start3A_256] : memref<768xi32, #tpu.memory_space<vmem>> -> memref<624xi32, #tpu.memory_space<vmem>>
    %dma_start3A_258 = tpu.memref_slice %arg10[%mul3A_166] : memref<20000xi32, #tpu.memory_space<hbm>> -> memref<624xi32, #tpu.memory_space<hbm>>
    %dma_start3A_259 = tpu.memref_slice %arg10[%mul3A_166] : memref<20000xi32, #tpu.memory_space<hbm>> -> memref<624xi32, #tpu.memory_space<hbm>>
    %dma_start3A_260 = arith.constant 0 : i32
    %dma_start3A_261 = tpu.memref_slice %arg23[%dma_start3A_260] : memref<768xi32, #tpu.memory_space<vmem>> -> memref<624xi32, #tpu.memory_space<vmem>>
    tpu.enqueue_dma source(%dma_start3A_261 : memref<624xi32, #tpu.memory_space<vmem>>) target(%dma_start3A_259 : memref<624xi32, #tpu.memory_space<hbm>>) target_semaphore(%arg26 : memref<!tpu.dma_semaphore, #tpu.memory_space<semaphore_mem>>)
    %dma_start3A_262 = arith.constant 0 : i32
    %dma_start3A_263 = tpu.memref_slice %arg24[%dma_start3A_262] : memref<768xf32, #tpu.memory_space<vmem>> -> memref<624xf32, #tpu.memory_space<vmem>>
    %dma_start3A_264 = tpu.memref_slice %arg11[%mul3A_166] : memref<20000xf32, #tpu.memory_space<hbm>> -> memref<624xf32, #tpu.memory_space<hbm>>
    %dma_start3A_265 = tpu.memref_slice %arg11[%mul3A_166] : memref<20000xf32, #tpu.memory_space<hbm>> -> memref<624xf32, #tpu.memory_space<hbm>>
    %dma_start3A_266 = arith.constant 0 : i32
    %dma_start3A_267 = tpu.memref_slice %arg24[%dma_start3A_266] : memref<768xf32, #tpu.memory_space<vmem>> -> memref<624xf32, #tpu.memory_space<vmem>>
    tpu.enqueue_dma source(%dma_start3A_267 : memref<624xf32, #tpu.memory_space<vmem>>) target(%dma_start3A_265 : memref<624xf32, #tpu.memory_space<hbm>>) target_semaphore(%arg26 : memref<!tpu.dma_semaphore, #tpu.memory_space<semaphore_mem>>)
    %dma_start3A_268 = arith.constant 0 : i32
    %dma_start3A_269 = tpu.memref_slice %arg25[%dma_start3A_268] : memref<768xf32, #tpu.memory_space<vmem>> -> memref<624xf32, #tpu.memory_space<vmem>>
    %dma_start3A_270 = tpu.memref_slice %arg12[%mul3A_166] : memref<20000xf32, #tpu.memory_space<hbm>> -> memref<624xf32, #tpu.memory_space<hbm>>
    %dma_start3A_271 = tpu.memref_slice %arg12[%mul3A_166] : memref<20000xf32, #tpu.memory_space<hbm>> -> memref<624xf32, #tpu.memory_space<hbm>>
    %dma_start3A_272 = arith.constant 0 : i32
    %dma_start3A_273 = tpu.memref_slice %arg25[%dma_start3A_272] : memref<768xf32, #tpu.memory_space<vmem>> -> memref<624xf32, #tpu.memory_space<vmem>>
    tpu.enqueue_dma source(%dma_start3A_273 : memref<624xf32, #tpu.memory_space<vmem>>) target(%dma_start3A_271 : memref<624xf32, #tpu.memory_space<hbm>>) target_semaphore(%arg26 : memref<!tpu.dma_semaphore, #tpu.memory_space<semaphore_mem>>)
    %dma_wait3A_274 = arith.constant 0 : i32
    %dma_wait3A_275 = tpu.memref_slice %arg22[%dma_wait3A_274] : memref<768xi32, #tpu.memory_space<vmem>> -> memref<624xi32, #tpu.memory_space<vmem>>
    %dma_wait3A_276 = tpu.memref_slice %arg9[%mul3A_166] : memref<20000xi32, #tpu.memory_space<hbm>> -> memref<624xi32, #tpu.memory_space<hbm>>
    %dma_wait3A_277 = tpu.memref_slice %arg9[%mul3A_166] : memref<20000xi32, #tpu.memory_space<hbm>> -> memref<624xi32, #tpu.memory_space<hbm>>
    %dma_wait3A_278 = arith.constant 0 : i32
    %dma_wait3A_279 = tpu.memref_slice %arg22[%dma_wait3A_278] : memref<768xi32, #tpu.memory_space<vmem>> -> memref<624xi32, #tpu.memory_space<vmem>>
    tpu.wait_dma2 semaphore(%arg26 : memref<!tpu.dma_semaphore, #tpu.memory_space<semaphore_mem>>) src(%dma_wait3A_279 : memref<624xi32, #tpu.memory_space<vmem>>) dst(%dma_wait3A_277 : memref<624xi32, #tpu.memory_space<hbm>>)
    %dma_wait3A_280 = arith.constant 0 : i32
    %dma_wait3A_281 = tpu.memref_slice %arg23[%dma_wait3A_280] : memref<768xi32, #tpu.memory_space<vmem>> -> memref<624xi32, #tpu.memory_space<vmem>>
    %dma_wait3A_282 = tpu.memref_slice %arg10[%mul3A_166] : memref<20000xi32, #tpu.memory_space<hbm>> -> memref<624xi32, #tpu.memory_space<hbm>>
    %dma_wait3A_283 = tpu.memref_slice %arg10[%mul3A_166] : memref<20000xi32, #tpu.memory_space<hbm>> -> memref<624xi32, #tpu.memory_space<hbm>>
    %dma_wait3A_284 = arith.constant 0 : i32
    %dma_wait3A_285 = tpu.memref_slice %arg23[%dma_wait3A_284] : memref<768xi32, #tpu.memory_space<vmem>> -> memref<624xi32, #tpu.memory_space<vmem>>
    tpu.wait_dma2 semaphore(%arg26 : memref<!tpu.dma_semaphore, #tpu.memory_space<semaphore_mem>>) src(%dma_wait3A_285 : memref<624xi32, #tpu.memory_space<vmem>>) dst(%dma_wait3A_283 : memref<624xi32, #tpu.memory_space<hbm>>)
    %dma_wait3A_286 = arith.constant 0 : i32
    %dma_wait3A_287 = tpu.memref_slice %arg24[%dma_wait3A_286] : memref<768xf32, #tpu.memory_space<vmem>> -> memref<624xf32, #tpu.memory_space<vmem>>
    %dma_wait3A_288 = tpu.memref_slice %arg11[%mul3A_166] : memref<20000xf32, #tpu.memory_space<hbm>> -> memref<624xf32, #tpu.memory_space<hbm>>
    %dma_wait3A_289 = tpu.memref_slice %arg11[%mul3A_166] : memref<20000xf32, #tpu.memory_space<hbm>> -> memref<624xf32, #tpu.memory_space<hbm>>
    %dma_wait3A_290 = arith.constant 0 : i32
    %dma_wait3A_291 = tpu.memref_slice %arg24[%dma_wait3A_290] : memref<768xf32, #tpu.memory_space<vmem>> -> memref<624xf32, #tpu.memory_space<vmem>>
    tpu.wait_dma2 semaphore(%arg26 : memref<!tpu.dma_semaphore, #tpu.memory_space<semaphore_mem>>) src(%dma_wait3A_291 : memref<624xf32, #tpu.memory_space<vmem>>) dst(%dma_wait3A_289 : memref<624xf32, #tpu.memory_space<hbm>>)
    %dma_wait3A_292 = arith.constant 0 : i32
    %dma_wait3A_293 = tpu.memref_slice %arg25[%dma_wait3A_292] : memref<768xf32, #tpu.memory_space<vmem>> -> memref<624xf32, #tpu.memory_space<vmem>>
    %dma_wait3A_294 = tpu.memref_slice %arg12[%mul3A_166] : memref<20000xf32, #tpu.memory_space<hbm>> -> memref<624xf32, #tpu.memory_space<hbm>>
    %dma_wait3A_295 = tpu.memref_slice %arg12[%mul3A_166] : memref<20000xf32, #tpu.memory_space<hbm>> -> memref<624xf32, #tpu.memory_space<hbm>>
    %dma_wait3A_296 = arith.constant 0 : i32
    %dma_wait3A_297 = tpu.memref_slice %arg25[%dma_wait3A_296] : memref<768xf32, #tpu.memory_space<vmem>> -> memref<624xf32, #tpu.memory_space<vmem>>
    tpu.wait_dma2 semaphore(%arg26 : memref<!tpu.dma_semaphore, #tpu.memory_space<semaphore_mem>>) src(%dma_wait3A_297 : memref<624xf32, #tpu.memory_space<vmem>>) dst(%dma_wait3A_295 : memref<624xf32, #tpu.memory_space<hbm>>)
    %eq3A_298 = arith.constant 31 : i32
    %eq3A_299 = arith.cmpi eq, %add3A, %eq3A_298 : i32
    %convert_element_type3A = arith.extui %eq3A_299 : i1 to i32
    %cond3A = arith.constant 0 : i32
    %cond3A_300 = arith.cmpi ne, %convert_element_type3A, %cond3A : i32
    scf.if %cond3A_300 {
      %add3A_301 = arith.constant 624 : i32
      %add3A_302 = arith.addi %mul3A_166, %add3A_301 : i32
      %dma_start3A_303 = arith.constant 624 : i32
      %dma_start3A_304 = tpu.memref_slice %arg22[%dma_start3A_303] : memref<768xi32, #tpu.memory_space<vmem>> -> memref<32xi32, #tpu.memory_space<vmem>>
      %dma_start3A_305 = tpu.memref_slice %arg9[%add3A_302] : memref<20000xi32, #tpu.memory_space<hbm>> -> memref<32xi32, #tpu.memory_space<hbm>>
      %dma_start3A_306 = tpu.memref_slice %arg9[%add3A_302] : memref<20000xi32, #tpu.memory_space<hbm>> -> memref<32xi32, #tpu.memory_space<hbm>>
      %dma_start3A_307 = arith.constant 624 : i32
      %dma_start3A_308 = tpu.memref_slice %arg22[%dma_start3A_307] : memref<768xi32, #tpu.memory_space<vmem>> -> memref<32xi32, #tpu.memory_space<vmem>>
      tpu.enqueue_dma source(%dma_start3A_308 : memref<32xi32, #tpu.memory_space<vmem>>) target(%dma_start3A_306 : memref<32xi32, #tpu.memory_space<hbm>>) target_semaphore(%arg26 : memref<!tpu.dma_semaphore, #tpu.memory_space<semaphore_mem>>)
      %dma_start3A_309 = arith.constant 624 : i32
      %dma_start3A_310 = tpu.memref_slice %arg23[%dma_start3A_309] : memref<768xi32, #tpu.memory_space<vmem>> -> memref<32xi32, #tpu.memory_space<vmem>>
      %dma_start3A_311 = tpu.memref_slice %arg10[%add3A_302] : memref<20000xi32, #tpu.memory_space<hbm>> -> memref<32xi32, #tpu.memory_space<hbm>>
      %dma_start3A_312 = tpu.memref_slice %arg10[%add3A_302] : memref<20000xi32, #tpu.memory_space<hbm>> -> memref<32xi32, #tpu.memory_space<hbm>>
      %dma_start3A_313 = arith.constant 624 : i32
      %dma_start3A_314 = tpu.memref_slice %arg23[%dma_start3A_313] : memref<768xi32, #tpu.memory_space<vmem>> -> memref<32xi32, #tpu.memory_space<vmem>>
      tpu.enqueue_dma source(%dma_start3A_314 : memref<32xi32, #tpu.memory_space<vmem>>) target(%dma_start3A_312 : memref<32xi32, #tpu.memory_space<hbm>>) target_semaphore(%arg26 : memref<!tpu.dma_semaphore, #tpu.memory_space<semaphore_mem>>)
      %dma_start3A_315 = arith.constant 624 : i32
      %dma_start3A_316 = tpu.memref_slice %arg24[%dma_start3A_315] : memref<768xf32, #tpu.memory_space<vmem>> -> memref<32xf32, #tpu.memory_space<vmem>>
      %dma_start3A_317 = tpu.memref_slice %arg11[%add3A_302] : memref<20000xf32, #tpu.memory_space<hbm>> -> memref<32xf32, #tpu.memory_space<hbm>>
      %dma_start3A_318 = tpu.memref_slice %arg11[%add3A_302] : memref<20000xf32, #tpu.memory_space<hbm>> -> memref<32xf32, #tpu.memory_space<hbm>>
      %dma_start3A_319 = arith.constant 624 : i32
      %dma_start3A_320 = tpu.memref_slice %arg24[%dma_start3A_319] : memref<768xf32, #tpu.memory_space<vmem>> -> memref<32xf32, #tpu.memory_space<vmem>>
      tpu.enqueue_dma source(%dma_start3A_320 : memref<32xf32, #tpu.memory_space<vmem>>) target(%dma_start3A_318 : memref<32xf32, #tpu.memory_space<hbm>>) target_semaphore(%arg26 : memref<!tpu.dma_semaphore, #tpu.memory_space<semaphore_mem>>)
      %dma_start3A_321 = arith.constant 624 : i32
      %dma_start3A_322 = tpu.memref_slice %arg25[%dma_start3A_321] : memref<768xf32, #tpu.memory_space<vmem>> -> memref<32xf32, #tpu.memory_space<vmem>>
      %dma_start3A_323 = tpu.memref_slice %arg12[%add3A_302] : memref<20000xf32, #tpu.memory_space<hbm>> -> memref<32xf32, #tpu.memory_space<hbm>>
      %dma_start3A_324 = tpu.memref_slice %arg12[%add3A_302] : memref<20000xf32, #tpu.memory_space<hbm>> -> memref<32xf32, #tpu.memory_space<hbm>>
      %dma_start3A_325 = arith.constant 624 : i32
      %dma_start3A_326 = tpu.memref_slice %arg25[%dma_start3A_325] : memref<768xf32, #tpu.memory_space<vmem>> -> memref<32xf32, #tpu.memory_space<vmem>>
      tpu.enqueue_dma source(%dma_start3A_326 : memref<32xf32, #tpu.memory_space<vmem>>) target(%dma_start3A_324 : memref<32xf32, #tpu.memory_space<hbm>>) target_semaphore(%arg26 : memref<!tpu.dma_semaphore, #tpu.memory_space<semaphore_mem>>)
      %dma_wait3A_327 = arith.constant 624 : i32
      %dma_wait3A_328 = tpu.memref_slice %arg22[%dma_wait3A_327] : memref<768xi32, #tpu.memory_space<vmem>> -> memref<32xi32, #tpu.memory_space<vmem>>
      %dma_wait3A_329 = tpu.memref_slice %arg9[%add3A_302] : memref<20000xi32, #tpu.memory_space<hbm>> -> memref<32xi32, #tpu.memory_space<hbm>>
      %dma_wait3A_330 = tpu.memref_slice %arg9[%add3A_302] : memref<20000xi32, #tpu.memory_space<hbm>> -> memref<32xi32, #tpu.memory_space<hbm>>
      %dma_wait3A_331 = arith.constant 624 : i32
      %dma_wait3A_332 = tpu.memref_slice %arg22[%dma_wait3A_331] : memref<768xi32, #tpu.memory_space<vmem>> -> memref<32xi32, #tpu.memory_space<vmem>>
      tpu.wait_dma2 semaphore(%arg26 : memref<!tpu.dma_semaphore, #tpu.memory_space<semaphore_mem>>) src(%dma_wait3A_332 : memref<32xi32, #tpu.memory_space<vmem>>) dst(%dma_wait3A_330 : memref<32xi32, #tpu.memory_space<hbm>>)
      %dma_wait3A_333 = arith.constant 624 : i32
      %dma_wait3A_334 = tpu.memref_slice %arg23[%dma_wait3A_333] : memref<768xi32, #tpu.memory_space<vmem>> -> memref<32xi32, #tpu.memory_space<vmem>>
      %dma_wait3A_335 = tpu.memref_slice %arg10[%add3A_302] : memref<20000xi32, #tpu.memory_space<hbm>> -> memref<32xi32, #tpu.memory_space<hbm>>
      %dma_wait3A_336 = tpu.memref_slice %arg10[%add3A_302] : memref<20000xi32, #tpu.memory_space<hbm>> -> memref<32xi32, #tpu.memory_space<hbm>>
      %dma_wait3A_337 = arith.constant 624 : i32
      %dma_wait3A_338 = tpu.memref_slice %arg23[%dma_wait3A_337] : memref<768xi32, #tpu.memory_space<vmem>> -> memref<32xi32, #tpu.memory_space<vmem>>
      tpu.wait_dma2 semaphore(%arg26 : memref<!tpu.dma_semaphore, #tpu.memory_space<semaphore_mem>>) src(%dma_wait3A_338 : memref<32xi32, #tpu.memory_space<vmem>>) dst(%dma_wait3A_336 : memref<32xi32, #tpu.memory_space<hbm>>)
      %dma_wait3A_339 = arith.constant 624 : i32
      %dma_wait3A_340 = tpu.memref_slice %arg24[%dma_wait3A_339] : memref<768xf32, #tpu.memory_space<vmem>> -> memref<32xf32, #tpu.memory_space<vmem>>
      %dma_wait3A_341 = tpu.memref_slice %arg11[%add3A_302] : memref<20000xf32, #tpu.memory_space<hbm>> -> memref<32xf32, #tpu.memory_space<hbm>>
      %dma_wait3A_342 = tpu.memref_slice %arg11[%add3A_302] : memref<20000xf32, #tpu.memory_space<hbm>> -> memref<32xf32, #tpu.memory_space<hbm>>
      %dma_wait3A_343 = arith.constant 624 : i32
      %dma_wait3A_344 = tpu.memref_slice %arg24[%dma_wait3A_343] : memref<768xf32, #tpu.memory_space<vmem>> -> memref<32xf32, #tpu.memory_space<vmem>>
      tpu.wait_dma2 semaphore(%arg26 : memref<!tpu.dma_semaphore, #tpu.memory_space<semaphore_mem>>) src(%dma_wait3A_344 : memref<32xf32, #tpu.memory_space<vmem>>) dst(%dma_wait3A_342 : memref<32xf32, #tpu.memory_space<hbm>>)
      %dma_wait3A_345 = arith.constant 624 : i32
      %dma_wait3A_346 = tpu.memref_slice %arg25[%dma_wait3A_345] : memref<768xf32, #tpu.memory_space<vmem>> -> memref<32xf32, #tpu.memory_space<vmem>>
      %dma_wait3A_347 = tpu.memref_slice %arg12[%add3A_302] : memref<20000xf32, #tpu.memory_space<hbm>> -> memref<32xf32, #tpu.memory_space<hbm>>
      %dma_wait3A_348 = tpu.memref_slice %arg12[%add3A_302] : memref<20000xf32, #tpu.memory_space<hbm>> -> memref<32xf32, #tpu.memory_space<hbm>>
      %dma_wait3A_349 = arith.constant 624 : i32
      %dma_wait3A_350 = tpu.memref_slice %arg25[%dma_wait3A_349] : memref<768xf32, #tpu.memory_space<vmem>> -> memref<32xf32, #tpu.memory_space<vmem>>
      tpu.wait_dma2 semaphore(%arg26 : memref<!tpu.dma_semaphore, #tpu.memory_space<semaphore_mem>>) src(%dma_wait3A_350 : memref<32xf32, #tpu.memory_space<vmem>>) dst(%dma_wait3A_348 : memref<32xf32, #tpu.memory_space<hbm>>)
    } else {
    }
    return
  }
}

#map = affine_map<(d0, d1) -> (0)>
module attributes {stable_mosaic.version = 14 : i64} {
  func.func @_phase1_body(%arg0: i32, %arg1: i32, %arg2: memref<5120xf32, #tpu.memory_space<hbm>>, %arg3: memref<5120xf32, #tpu.memory_space<hbm>>, %arg4: memref<5120xf32, #tpu.memory_space<hbm>>, %arg5: memref<5120xf32, #tpu.memory_space<hbm>>, %arg6: memref<144xi32, #tpu.memory_space<hbm>>, %arg7: memref<2048xi32, #tpu.memory_space<hbm>>, %arg8: memref<2621456xi32, #tpu.memory_space<hbm>>, %arg9: memref<5120xf32, #tpu.memory_space<vmem>>, %arg10: memref<5120xf32, #tpu.memory_space<vmem>>, %arg11: memref<5120xf32, #tpu.memory_space<vmem>>, %arg12: memref<5120xf32, #tpu.memory_space<vmem>>, %arg13: memref<144xi32, #tpu.memory_space<vmem>>, %arg14: memref<20480xi32, #tpu.memory_space<vmem>>, %arg15: memref<16xi32, #tpu.memory_space<vmem>>, %arg16: memref<!tpu.dma_semaphore, #tpu.memory_space<semaphore_mem>>) attributes {dimension_semantics = [#tpu.dimension_semantics<core_parallel>, #tpu.dimension_semantics<subcore_parallel>], iteration_bounds = array<i64: 2, 16>, scalar_prefetch = 0 : i64, scratch_operands = 8 : i64, tpu.core_type = #tpu.core_type<sc_vector_subcore>, window_params = [{transform_indices = #map}, {transform_indices = #map}, {transform_indices = #map}, {transform_indices = #map}, {transform_indices = #map}, {transform_indices = #map}, {transform_indices = #map}]} {
    %mul3A = arith.constant 2 : i32
    %mul3A_0 = arith.muli %arg1, %mul3A : i32
    %add3A = arith.addi %mul3A_0, %arg0 : i32
    %iota3A = tpu.iota {dimensions = array<i32: 0>} : vector<16xi32>
    "tpu.region"() ({
      %run_scoped3A = tpu.sem_alloc : memref<!tpu.dma_semaphore, #tpu.memory_space<semaphore_mem>>
      tpu.enqueue_dma source(%arg2 : memref<5120xf32, #tpu.memory_space<hbm>>) target(%arg9 : memref<5120xf32, #tpu.memory_space<vmem>>) target_semaphore(%run_scoped3A : memref<!tpu.dma_semaphore, #tpu.memory_space<semaphore_mem>>)
      tpu.wait_dma2 semaphore(%run_scoped3A : memref<!tpu.dma_semaphore, #tpu.memory_space<semaphore_mem>>) src(%arg2 : memref<5120xf32, #tpu.memory_space<hbm>>) dst(%arg9 : memref<5120xf32, #tpu.memory_space<vmem>>)
      tpu.yield
    }) : () -> ()
    "tpu.region"() ({
      %run_scoped3A = tpu.sem_alloc : memref<!tpu.dma_semaphore, #tpu.memory_space<semaphore_mem>>
      tpu.enqueue_dma source(%arg3 : memref<5120xf32, #tpu.memory_space<hbm>>) target(%arg10 : memref<5120xf32, #tpu.memory_space<vmem>>) target_semaphore(%run_scoped3A : memref<!tpu.dma_semaphore, #tpu.memory_space<semaphore_mem>>)
      tpu.wait_dma2 semaphore(%run_scoped3A : memref<!tpu.dma_semaphore, #tpu.memory_space<semaphore_mem>>) src(%arg3 : memref<5120xf32, #tpu.memory_space<hbm>>) dst(%arg10 : memref<5120xf32, #tpu.memory_space<vmem>>)
      tpu.yield
    }) : () -> ()
    "tpu.region"() ({
      %run_scoped3A = tpu.sem_alloc : memref<!tpu.dma_semaphore, #tpu.memory_space<semaphore_mem>>
      tpu.enqueue_dma source(%arg4 : memref<5120xf32, #tpu.memory_space<hbm>>) target(%arg11 : memref<5120xf32, #tpu.memory_space<vmem>>) target_semaphore(%run_scoped3A : memref<!tpu.dma_semaphore, #tpu.memory_space<semaphore_mem>>)
      tpu.wait_dma2 semaphore(%run_scoped3A : memref<!tpu.dma_semaphore, #tpu.memory_space<semaphore_mem>>) src(%arg4 : memref<5120xf32, #tpu.memory_space<hbm>>) dst(%arg11 : memref<5120xf32, #tpu.memory_space<vmem>>)
      tpu.yield
    }) : () -> ()
    "tpu.region"() ({
      %run_scoped3A = tpu.sem_alloc : memref<!tpu.dma_semaphore, #tpu.memory_space<semaphore_mem>>
      tpu.enqueue_dma source(%arg5 : memref<5120xf32, #tpu.memory_space<hbm>>) target(%arg12 : memref<5120xf32, #tpu.memory_space<vmem>>) target_semaphore(%run_scoped3A : memref<!tpu.dma_semaphore, #tpu.memory_space<semaphore_mem>>)
      tpu.wait_dma2 semaphore(%run_scoped3A : memref<!tpu.dma_semaphore, #tpu.memory_space<semaphore_mem>>) src(%arg5 : memref<5120xf32, #tpu.memory_space<hbm>>) dst(%arg12 : memref<5120xf32, #tpu.memory_space<vmem>>)
      tpu.yield
    }) : () -> ()
    "tpu.region"() ({
      %run_scoped3A = tpu.sem_alloc : memref<!tpu.dma_semaphore, #tpu.memory_space<semaphore_mem>>
      tpu.enqueue_dma source(%arg6 : memref<144xi32, #tpu.memory_space<hbm>>) target(%arg13 : memref<144xi32, #tpu.memory_space<vmem>>) target_semaphore(%run_scoped3A : memref<!tpu.dma_semaphore, #tpu.memory_space<semaphore_mem>>)
      tpu.wait_dma2 semaphore(%run_scoped3A : memref<!tpu.dma_semaphore, #tpu.memory_space<semaphore_mem>>) src(%arg6 : memref<144xi32, #tpu.memory_space<hbm>>) dst(%arg13 : memref<144xi32, #tpu.memory_space<vmem>>)
      tpu.yield
    }) : () -> ()
    %scan3A = arith.constant 0 : i32
    %scan3A_1 = arith.constant 0 : i32
    %scan3A_2 = arith.constant 4 : i32
    %scan3A_3 = arith.addi %scan3A_1, %scan3A_2 : i32
    %scan3A_4 = arith.constant 1 : i32
    %scan3A_5 = scf.for %scan3A_9 = %scan3A_1 to %scan3A_3 step %scan3A_4 iter_args(%scan3A_10 = %scan3A) -> (i32)  : i32 {
      %mul3A_11 = arith.constant 32 : i32
      %mul3A_12 = arith.muli %scan3A_9, %mul3A_11 : i32
      %add3A_13 = arith.addi %mul3A_12, %add3A : i32
      %broadcast_in_dim3A = vector.broadcast %add3A_13 : i32 to vector<16xi32>
      %gather3A = tpu.vector_load_idx %arg13[%broadcast_in_dim3A] : memref<144xi32, #tpu.memory_space<vmem>>[vector<16xi32>], vector<16xi32>,
      %add3A_14 = arith.constant 1 : i32
      %add3A_15 = arith.addi %add3A_13, %add3A_14 : i32
      %broadcast_in_dim3A_16 = vector.broadcast %add3A_15 : i32 to vector<16xi32>
      %gather3A_17 = tpu.vector_load_idx %arg13[%broadcast_in_dim3A_16] : memref<144xi32, #tpu.memory_space<vmem>>[vector<16xi32>], vector<16xi32>,
      %eq3A_18 = arith.constant 0 : i32
      %eq3A_19 = vector.broadcast %eq3A_18 : i32 to vector<16xi32>
      %eq3A_20 = arith.cmpi eq, %iota3A, %eq3A_19 : vector<16xi32>
      %jit3A = arith.constant 0 : i32
      %broadcast_in_dim3A_21 = vector.broadcast %jit3A : i32 to vector<16xi32>
      %select_n3A = arith.select %eq3A_20, %gather3A, %broadcast_in_dim3A_21 : vector<16xi1>, vector<16xi32>
      %reduce_sum3A = arith.constant true
      %reduce_sum3A_22 = vector.broadcast %reduce_sum3A : i1 to vector<16xi1>
      %reduce_sum3A_23 = tpu.scan <sum>, %select_n3A masked %reduce_sum3A_22 : vector<16xi32>, vector<16xi1> -> vector<16xi32>
      %reduce_sum3A_24 = vector.extract %reduce_sum3A_23[15] : i32 from vector<16xi32>
      %eq3A_25 = arith.constant 0 : i32
      %eq3A_26 = vector.broadcast %eq3A_25 : i32 to vector<16xi32>
      %eq3A_27 = arith.cmpi eq, %iota3A, %eq3A_26 : vector<16xi32>
      %jit3A_28 = arith.constant 0 : i32
      %broadcast_in_dim3A_29 = vector.broadcast %jit3A_28 : i32 to vector<16xi32>
      %select_n3A_30 = arith.select %eq3A_27, %gather3A_17, %broadcast_in_dim3A_29 : vector<16xi1>, vector<16xi32>
      %reduce_sum3A_31 = arith.constant true
      %reduce_sum3A_32 = vector.broadcast %reduce_sum3A_31 : i1 to vector<16xi1>
      %reduce_sum3A_33 = tpu.scan <sum>, %select_n3A_30 masked %reduce_sum3A_32 : vector<16xi32>, vector<16xi1> -> vector<16xi32>
      %reduce_sum3A_34 = vector.extract %reduce_sum3A_33[15] : i32 from vector<16xi32>
      %broadcast_in_dim3A_35 = arith.constant 0 : i32
      %broadcast_in_dim3A_36 = vector.broadcast %broadcast_in_dim3A_35 : i32 to vector<16xi32>
      %while3A = arith.subi %reduce_sum3A_34, %reduce_sum3A_24 : i32
      %while3A_37 = arith.addi %reduce_sum3A_24, %while3A : i32
      %while3A_38 = arith.constant 1 : i32
      %while3A_39 = arith.divsi %while3A, %while3A_38 : i32
      %while3A_40 = arith.muli %while3A_39, %while3A_38 : i32
      %while3A_41 = arith.addi %reduce_sum3A_24, %while3A_40 : i32
      %while3A_42 = arith.constant 1 : i32
      %while3A_43 = scf.for %while3A_93 = %reduce_sum3A_24 to %while3A_41 step %while3A_42 iter_args(%while3A_94 = %broadcast_in_dim3A_36) -> (vector<16xi32>)  : i32 {
        %broadcast_in_dim3A_95 = vector.broadcast %while3A_93 : i32 to vector<16xi32>
        %shift_left3A = arith.constant 13 : i32
        %shift_left3A_96 = vector.broadcast %shift_left3A : i32 to vector<16xi32>
        %shift_left3A_97 = arith.shli %broadcast_in_dim3A_95, %shift_left3A_96 : vector<16xi32>
        %gather3A_98 = tpu.vector_load_idx %arg9[%broadcast_in_dim3A_95] : memref<5120xf32, #tpu.memory_space<vmem>>[vector<16xi32>], vector<16xf32>,
        %gather3A_99 = tpu.vector_load_idx %arg10[%broadcast_in_dim3A_95] : memref<5120xf32, #tpu.memory_space<vmem>>[vector<16xi32>], vector<16xf32>,
        %gather3A_100 = tpu.vector_load_idx %arg11[%broadcast_in_dim3A_95] : memref<5120xf32, #tpu.memory_space<vmem>>[vector<16xi32>], vector<16xf32>,
        %gather3A_101 = tpu.vector_load_idx %arg12[%broadcast_in_dim3A_95] : memref<5120xf32, #tpu.memory_space<vmem>>[vector<16xi32>], vector<16xf32>,
        %add3A_102 = arith.constant 1 : i32
        %add3A_103 = arith.addi %while3A_93, %add3A_102 : i32
        %jit3A_104 = arith.constant 128 : i32
        %div3A_105 = arith.divsi %add3A_103, %jit3A_104 : i32
        %sign3A_106 = arith.constant 0 : i32
        %sign3A_107 = arith.cmpi sgt, %add3A_103, %sign3A_106 : i32
        %sign3A_108 = arith.extui %sign3A_107 : i1 to i32
        %sign3A_109 = arith.constant 0 : i32
        %sign3A_110 = arith.cmpi slt, %add3A_103, %sign3A_109 : i32
        %sign3A_111 = arith.extui %sign3A_110 : i1 to i32
        %sign3A_112 = arith.subi %sign3A_108, %sign3A_111 : i32
        %sign3A_113 = arith.constant 0 : i32
        %sign3A_114 = arith.cmpi sgt, %jit3A_104, %sign3A_113 : i32
        %sign3A_115 = arith.extui %sign3A_114 : i1 to i32
        %sign3A_116 = arith.constant 0 : i32
        %sign3A_117 = arith.cmpi slt, %jit3A_104, %sign3A_116 : i32
        %sign3A_118 = arith.extui %sign3A_117 : i1 to i32
        %sign3A_119 = arith.subi %sign3A_115, %sign3A_118 : i32
        %ne3A_120 = arith.cmpi ne, %sign3A_112, %sign3A_119 : i32
        %rem3A_121 = arith.remsi %add3A_103, %jit3A_104 : i32
        %ne3A_122 = arith.constant 0 : i32
        %ne3A_123 = arith.cmpi ne, %rem3A_121, %ne3A_122 : i32
        %and3A_124 = arith.andi %ne3A_120, %ne3A_123 : i1
        %sub3A_125 = arith.constant 1 : i32
        %sub3A_126 = arith.subi %div3A_105, %sub3A_125 : i32
        %select_n3A_127 = arith.select %and3A_124, %sub3A_126, %div3A_105 : i32
        %mul3A_128 = arith.constant 8 : i32
        %mul3A_129 = arith.muli %select_n3A_127, %mul3A_128 : i32
        %parallel_loop3A = arith.constant 320 : i32
        %parallel_loop3A_130 = arith.constant 1 : i32
        %parallel_loop3A_131 = scf.for %parallel_loop3A_132 = %mul3A_129 to %parallel_loop3A step %parallel_loop3A_130 iter_args(%parallel_loop3A_133 = %while3A_94) -> (vector<16xi32>)  : i32 {
          %parallel_loop3A_134 = arith.constant 16 : i32
          %parallel_loop3A_135 = arith.muli %parallel_loop3A_132, %parallel_loop3A_134 : i32
          %parallel_loop3A_136 = arith.index_cast %parallel_loop3A_135 : i32 to index
          %parallel_loop3A_137 = tpu.vector_load %arg9[%parallel_loop3A_136] {strides = array<i32>} : memref<5120xf32, #tpu.memory_space<vmem>>, vector<16xf32>,
          %parallel_loop3A_138 = arith.index_cast %parallel_loop3A_135 : i32 to index
          %parallel_loop3A_139 = tpu.vector_load %arg10[%parallel_loop3A_138] {strides = array<i32>} : memref<5120xf32, #tpu.memory_space<vmem>>, vector<16xf32>,
          %parallel_loop3A_140 = arith.index_cast %parallel_loop3A_135 : i32 to index
          %parallel_loop3A_141 = tpu.vector_load %arg11[%parallel_loop3A_140] {strides = array<i32>} : memref<5120xf32, #tpu.memory_space<vmem>>, vector<16xf32>,
          %parallel_loop3A_142 = arith.index_cast %parallel_loop3A_135 : i32 to index
          %parallel_loop3A_143 = tpu.vector_load %arg12[%parallel_loop3A_142] {strides = array<i32>} : memref<5120xf32, #tpu.memory_space<vmem>>, vector<16xf32>,
          %parallel_loop3A_144 = arith.minimumf %gather3A_100, %parallel_loop3A_141 : vector<16xf32>
          %parallel_loop3A_145 = arith.maximumf %gather3A_98, %parallel_loop3A_137 : vector<16xf32>
          %parallel_loop3A_146 = arith.subf %parallel_loop3A_144, %parallel_loop3A_145 : vector<16xf32>
          %parallel_loop3A_147 = arith.minimumf %gather3A_101, %parallel_loop3A_143 : vector<16xf32>
          %parallel_loop3A_148 = arith.maximumf %gather3A_99, %parallel_loop3A_139 : vector<16xf32>
          %parallel_loop3A_149 = arith.subf %parallel_loop3A_147, %parallel_loop3A_148 : vector<16xf32>
          %parallel_loop3A_150 = vector.broadcast %parallel_loop3A_135 : i32 to vector<16xi32>
          %parallel_loop3A_151 = arith.addi %parallel_loop3A_150, %iota3A : vector<16xi32>
          %parallel_loop3A_152 = arith.minimumf %parallel_loop3A_146, %parallel_loop3A_149 : vector<16xf32>
          %parallel_loop3A_153 = arith.constant 0.000000e+00 : f32
          %parallel_loop3A_154 = vector.broadcast %parallel_loop3A_153 : f32 to vector<16xf32>
          %parallel_loop3A_155 = arith.cmpf ogt, %parallel_loop3A_152, %parallel_loop3A_154 : vector<16xf32>
          %parallel_loop3A_156 = vector.broadcast %while3A_93 : i32 to vector<16xi32>
          %parallel_loop3A_157 = arith.cmpi sgt, %parallel_loop3A_151, %parallel_loop3A_156 : vector<16xi32>
          %parallel_loop3A_158 = arith.andi %parallel_loop3A_155, %parallel_loop3A_157 : vector<16xi1>
          %parallel_loop3A_159 = arith.extui %parallel_loop3A_158 : vector<16xi1> to vector<16xi32>
          %parallel_loop3A_160 = arith.constant true
          %parallel_loop3A_161 = vector.broadcast %parallel_loop3A_160 : i1 to vector<16xi1>
          %parallel_loop3A_162 = tpu.scan <sum>, %parallel_loop3A_159 masked %parallel_loop3A_161 : vector<16xi32>, vector<16xi1> -> vector<16xi32>
          %parallel_loop3A_163 = arith.constant 20464 : i32
          %parallel_loop3A_164 = vector.broadcast %parallel_loop3A_163 : i32 to vector<16xi32>
          %parallel_loop3A_165 = arith.minsi %parallel_loop3A_133, %parallel_loop3A_164 : vector<16xi32>
          %parallel_loop3A_166 = arith.addi %parallel_loop3A_165, %parallel_loop3A_162 : vector<16xi32>
          %parallel_loop3A_167 = arith.constant 1 : i32
          %parallel_loop3A_168 = vector.broadcast %parallel_loop3A_167 : i32 to vector<16xi32>
          %parallel_loop3A_169 = arith.subi %parallel_loop3A_166, %parallel_loop3A_168 : vector<16xi32>
          %parallel_loop3A_170 = arith.ori %shift_left3A_97, %parallel_loop3A_151 : vector<16xi32>
          tpu.vector_store_idx %arg14[%parallel_loop3A_169], %parallel_loop3A_170 masked %parallel_loop3A_158 : memref<20480xi32, #tpu.memory_space<vmem>>[vector<16xi32>], vector<16xi32>, vector<16xi1>
          %parallel_loop3A_171 = tpu.all_reduce %parallel_loop3A_158 {dim = 0 : i64, kind = #tpu.reduction_kind<sum>} : vector<16xi1> -> vector<16xi32>
          %parallel_loop3A_172 = arith.addi %parallel_loop3A_133, %parallel_loop3A_171 : vector<16xi32>
          scf.yield %parallel_loop3A_172 : vector<16xi32>
        } {sc.loop_unroll_factor = 8 : i64, sc.parallel_access}
        scf.yield %parallel_loop3A_131 : vector<16xi32>
      }
      %while3A_44 = arith.constant 1 : i32
      %while3A_45 = scf.for %while3A_93 = %while3A_41 to %while3A_37 step %while3A_44 iter_args(%while3A_94 = %while3A_43) -> (vector<16xi32>)  : i32 {
        %broadcast_in_dim3A_95 = vector.broadcast %while3A_93 : i32 to vector<16xi32>
        %shift_left3A = arith.constant 13 : i32
        %shift_left3A_96 = vector.broadcast %shift_left3A : i32 to vector<16xi32>
        %shift_left3A_97 = arith.shli %broadcast_in_dim3A_95, %shift_left3A_96 : vector<16xi32>
        %gather3A_98 = tpu.vector_load_idx %arg9[%broadcast_in_dim3A_95] : memref<5120xf32, #tpu.memory_space<vmem>>[vector<16xi32>], vector<16xf32>,
        %gather3A_99 = tpu.vector_load_idx %arg10[%broadcast_in_dim3A_95] : memref<5120xf32, #tpu.memory_space<vmem>>[vector<16xi32>], vector<16xf32>,
        %gather3A_100 = tpu.vector_load_idx %arg11[%broadcast_in_dim3A_95] : memref<5120xf32, #tpu.memory_space<vmem>>[vector<16xi32>], vector<16xf32>,
        %gather3A_101 = tpu.vector_load_idx %arg12[%broadcast_in_dim3A_95] : memref<5120xf32, #tpu.memory_space<vmem>>[vector<16xi32>], vector<16xf32>,
        %add3A_102 = arith.constant 1 : i32
        %add3A_103 = arith.addi %while3A_93, %add3A_102 : i32
        %jit3A_104 = arith.constant 128 : i32
        %div3A_105 = arith.divsi %add3A_103, %jit3A_104 : i32
        %sign3A_106 = arith.constant 0 : i32
        %sign3A_107 = arith.cmpi sgt, %add3A_103, %sign3A_106 : i32
        %sign3A_108 = arith.extui %sign3A_107 : i1 to i32
        %sign3A_109 = arith.constant 0 : i32
        %sign3A_110 = arith.cmpi slt, %add3A_103, %sign3A_109 : i32
        %sign3A_111 = arith.extui %sign3A_110 : i1 to i32
        %sign3A_112 = arith.subi %sign3A_108, %sign3A_111 : i32
        %sign3A_113 = arith.constant 0 : i32
        %sign3A_114 = arith.cmpi sgt, %jit3A_104, %sign3A_113 : i32
        %sign3A_115 = arith.extui %sign3A_114 : i1 to i32
        %sign3A_116 = arith.constant 0 : i32
        %sign3A_117 = arith.cmpi slt, %jit3A_104, %sign3A_116 : i32
        %sign3A_118 = arith.extui %sign3A_117 : i1 to i32
        %sign3A_119 = arith.subi %sign3A_115, %sign3A_118 : i32
        %ne3A_120 = arith.cmpi ne, %sign3A_112, %sign3A_119 : i32
        %rem3A_121 = arith.remsi %add3A_103, %jit3A_104 : i32
        %ne3A_122 = arith.constant 0 : i32
        %ne3A_123 = arith.cmpi ne, %rem3A_121, %ne3A_122 : i32
        %and3A_124 = arith.andi %ne3A_120, %ne3A_123 : i1
        %sub3A_125 = arith.constant 1 : i32
        %sub3A_126 = arith.subi %div3A_105, %sub3A_125 : i32
        %select_n3A_127 = arith.select %and3A_124, %sub3A_126, %div3A_105 : i32
        %mul3A_128 = arith.constant 8 : i32
        %mul3A_129 = arith.muli %select_n3A_127, %mul3A_128 : i32
        %parallel_loop3A = arith.constant 320 : i32
        %parallel_loop3A_130 = arith.constant 1 : i32
        %parallel_loop3A_131 = scf.for %parallel_loop3A_132 = %mul3A_129 to %parallel_loop3A step %parallel_loop3A_130 iter_args(%parallel_loop3A_133 = %while3A_94) -> (vector<16xi32>)  : i32 {
          %parallel_loop3A_134 = arith.constant 16 : i32
          %parallel_loop3A_135 = arith.muli %parallel_loop3A_132, %parallel_loop3A_134 : i32
          %parallel_loop3A_136 = arith.index_cast %parallel_loop3A_135 : i32 to index
          %parallel_loop3A_137 = tpu.vector_load %arg9[%parallel_loop3A_136] {strides = array<i32>} : memref<5120xf32, #tpu.memory_space<vmem>>, vector<16xf32>,
          %parallel_loop3A_138 = arith.index_cast %parallel_loop3A_135 : i32 to index
          %parallel_loop3A_139 = tpu.vector_load %arg10[%parallel_loop3A_138] {strides = array<i32>} : memref<5120xf32, #tpu.memory_space<vmem>>, vector<16xf32>,
          %parallel_loop3A_140 = arith.index_cast %parallel_loop3A_135 : i32 to index
          %parallel_loop3A_141 = tpu.vector_load %arg11[%parallel_loop3A_140] {strides = array<i32>} : memref<5120xf32, #tpu.memory_space<vmem>>, vector<16xf32>,
          %parallel_loop3A_142 = arith.index_cast %parallel_loop3A_135 : i32 to index
          %parallel_loop3A_143 = tpu.vector_load %arg12[%parallel_loop3A_142] {strides = array<i32>} : memref<5120xf32, #tpu.memory_space<vmem>>, vector<16xf32>,
          %parallel_loop3A_144 = arith.minimumf %gather3A_100, %parallel_loop3A_141 : vector<16xf32>
          %parallel_loop3A_145 = arith.maximumf %gather3A_98, %parallel_loop3A_137 : vector<16xf32>
          %parallel_loop3A_146 = arith.subf %parallel_loop3A_144, %parallel_loop3A_145 : vector<16xf32>
          %parallel_loop3A_147 = arith.minimumf %gather3A_101, %parallel_loop3A_143 : vector<16xf32>
          %parallel_loop3A_148 = arith.maximumf %gather3A_99, %parallel_loop3A_139 : vector<16xf32>
          %parallel_loop3A_149 = arith.subf %parallel_loop3A_147, %parallel_loop3A_148 : vector<16xf32>
          %parallel_loop3A_150 = vector.broadcast %parallel_loop3A_135 : i32 to vector<16xi32>
          %parallel_loop3A_151 = arith.addi %parallel_loop3A_150, %iota3A : vector<16xi32>
          %parallel_loop3A_152 = arith.minimumf %parallel_loop3A_146, %parallel_loop3A_149 : vector<16xf32>
          %parallel_loop3A_153 = arith.constant 0.000000e+00 : f32
          %parallel_loop3A_154 = vector.broadcast %parallel_loop3A_153 : f32 to vector<16xf32>
          %parallel_loop3A_155 = arith.cmpf ogt, %parallel_loop3A_152, %parallel_loop3A_154 : vector<16xf32>
          %parallel_loop3A_156 = vector.broadcast %while3A_93 : i32 to vector<16xi32>
          %parallel_loop3A_157 = arith.cmpi sgt, %parallel_loop3A_151, %parallel_loop3A_156 : vector<16xi32>
          %parallel_loop3A_158 = arith.andi %parallel_loop3A_155, %parallel_loop3A_157 : vector<16xi1>
          %parallel_loop3A_159 = arith.extui %parallel_loop3A_158 : vector<16xi1> to vector<16xi32>
          %parallel_loop3A_160 = arith.constant true
          %parallel_loop3A_161 = vector.broadcast %parallel_loop3A_160 : i1 to vector<16xi1>
          %parallel_loop3A_162 = tpu.scan <sum>, %parallel_loop3A_159 masked %parallel_loop3A_161 : vector<16xi32>, vector<16xi1> -> vector<16xi32>
          %parallel_loop3A_163 = arith.constant 20464 : i32
          %parallel_loop3A_164 = vector.broadcast %parallel_loop3A_163 : i32 to vector<16xi32>
          %parallel_loop3A_165 = arith.minsi %parallel_loop3A_133, %parallel_loop3A_164 : vector<16xi32>
          %parallel_loop3A_166 = arith.addi %parallel_loop3A_165, %parallel_loop3A_162 : vector<16xi32>
          %parallel_loop3A_167 = arith.constant 1 : i32
          %parallel_loop3A_168 = vector.broadcast %parallel_loop3A_167 : i32 to vector<16xi32>
          %parallel_loop3A_169 = arith.subi %parallel_loop3A_166, %parallel_loop3A_168 : vector<16xi32>
          %parallel_loop3A_170 = arith.ori %shift_left3A_97, %parallel_loop3A_151 : vector<16xi32>
          tpu.vector_store_idx %arg14[%parallel_loop3A_169], %parallel_loop3A_170 masked %parallel_loop3A_158 : memref<20480xi32, #tpu.memory_space<vmem>>[vector<16xi32>], vector<16xi32>, vector<16xi1>
          %parallel_loop3A_171 = tpu.all_reduce %parallel_loop3A_158 {dim = 0 : i64, kind = #tpu.reduction_kind<sum>} : vector<16xi1> -> vector<16xi32>
          %parallel_loop3A_172 = arith.addi %parallel_loop3A_133, %parallel_loop3A_171 : vector<16xi32>
          scf.yield %parallel_loop3A_172 : vector<16xi32>
        } {sc.loop_unroll_factor = 8 : i64, sc.parallel_access}
        scf.yield %parallel_loop3A_131 : vector<16xi32>
      }
      %reduce_max3A = arith.constant true
      %reduce_max3A_46 = vector.broadcast %reduce_max3A : i1 to vector<16xi1>
      %reduce_max3A_47 = arith.constant -2147483648 : i32
      %reduce_max3A_48 = vector.broadcast %reduce_max3A_47 : i32 to vector<16xi32>
      %reduce_max3A_49 = arith.xori %while3A_45, %reduce_max3A_48 : vector<16xi32>
      %reduce_max3A_50 = tpu.scan <max>, %reduce_max3A_49 masked %reduce_max3A_46 : vector<16xi32>, vector<16xi1> -> vector<16xi32>
      %reduce_max3A_51 = arith.xori %reduce_max3A_50, %reduce_max3A_48 : vector<16xi32>
      %reduce_max3A_52 = vector.extract %reduce_max3A_51[15] : i32 from vector<16xi32>
      %broadcast_in_dim3A_53 = vector.broadcast %reduce_max3A_52 : i32 to vector<16xi32>
      %swap3A = arith.constant 0 : index
      %swap3A_54 = tpu.vector_load %arg15[%swap3A] {strides = array<i32>} : memref<16xi32, #tpu.memory_space<vmem>>, vector<16xi32>,
      tpu.vector_store %arg15[%swap3A], %broadcast_in_dim3A_53 {strides = array<i32>} : memref<16xi32, #tpu.memory_space<vmem>>, vector<16xi32>,
      %mul3A_55 = arith.constant 16 : i32
      %mul3A_56 = arith.muli %add3A_13, %mul3A_55 : i32
      "tpu.region"() ({
        %run_scoped3A = tpu.sem_alloc : memref<!tpu.dma_semaphore, #tpu.memory_space<semaphore_mem>>
        %dma_start3A = tpu.memref_slice %arg7[%mul3A_56] : memref<2048xi32, #tpu.memory_space<hbm>> -> memref<16xi32, #tpu.memory_space<hbm>>
        %dma_start3A_93 = tpu.memref_slice %arg7[%mul3A_56] : memref<2048xi32, #tpu.memory_space<hbm>> -> memref<16xi32, #tpu.memory_space<hbm>>
        tpu.enqueue_dma source(%arg15 : memref<16xi32, #tpu.memory_space<vmem>>) target(%dma_start3A_93 : memref<16xi32, #tpu.memory_space<hbm>>) target_semaphore(%run_scoped3A : memref<!tpu.dma_semaphore, #tpu.memory_space<semaphore_mem>>)
        %dma_wait3A = tpu.memref_slice %arg7[%mul3A_56] : memref<2048xi32, #tpu.memory_space<hbm>> -> memref<16xi32, #tpu.memory_space<hbm>>
        %dma_wait3A_94 = tpu.memref_slice %arg7[%mul3A_56] : memref<2048xi32, #tpu.memory_space<hbm>> -> memref<16xi32, #tpu.memory_space<hbm>>
        tpu.wait_dma2 semaphore(%run_scoped3A : memref<!tpu.dma_semaphore, #tpu.memory_space<semaphore_mem>>) src(%arg15 : memref<16xi32, #tpu.memory_space<vmem>>) dst(%dma_wait3A_94 : memref<16xi32, #tpu.memory_space<hbm>>)
        tpu.yield
      }) : () -> ()
      %min3A = arith.constant 20480 : i32
      %min3A_57 = arith.minsi %reduce_max3A_52, %min3A : i32
      %add3A_58 = arith.constant 512 : i32
      %add3A_59 = arith.addi %min3A_57, %add3A_58 : i32
      %sub3A = arith.constant 1 : i32
      %sub3A_60 = arith.subi %add3A_59, %sub3A : i32
      %jit3A_61 = arith.constant 512 : i32
      %div3A = arith.divsi %sub3A_60, %jit3A_61 : i32
      %sign3A = arith.constant 0 : i32
      %sign3A_62 = arith.cmpi sgt, %sub3A_60, %sign3A : i32
      %sign3A_63 = arith.extui %sign3A_62 : i1 to i32
      %sign3A_64 = arith.constant 0 : i32
      %sign3A_65 = arith.cmpi slt, %sub3A_60, %sign3A_64 : i32
      %sign3A_66 = arith.extui %sign3A_65 : i1 to i32
      %sign3A_67 = arith.subi %sign3A_63, %sign3A_66 : i32
      %sign3A_68 = arith.constant 0 : i32
      %sign3A_69 = arith.cmpi sgt, %jit3A_61, %sign3A_68 : i32
      %sign3A_70 = arith.extui %sign3A_69 : i1 to i32
      %sign3A_71 = arith.constant 0 : i32
      %sign3A_72 = arith.cmpi slt, %jit3A_61, %sign3A_71 : i32
      %sign3A_73 = arith.extui %sign3A_72 : i1 to i32
      %sign3A_74 = arith.subi %sign3A_70, %sign3A_73 : i32
      %ne3A = arith.cmpi ne, %sign3A_67, %sign3A_74 : i32
      %rem3A = arith.remsi %sub3A_60, %jit3A_61 : i32
      %ne3A_75 = arith.constant 0 : i32
      %ne3A_76 = arith.cmpi ne, %rem3A, %ne3A_75 : i32
      %and3A = arith.andi %ne3A, %ne3A_76 : i1
      %sub3A_77 = arith.constant 1 : i32
      %sub3A_78 = arith.subi %div3A, %sub3A_77 : i32
      %select_n3A_79 = arith.select %and3A, %sub3A_78, %div3A : i32
      %while3A_80 = arith.constant 0 : i32
      %while3A_81 = arith.constant 0 : i32
      %while3A_82 = arith.subi %select_n3A_79, %while3A_80 : i32
      %while3A_83 = arith.addi %while3A_80, %while3A_82 : i32
      %while3A_84 = arith.constant 1 : i32
      %while3A_85 = arith.divsi %while3A_82, %while3A_84 : i32
      %while3A_86 = arith.muli %while3A_85, %while3A_84 : i32
      %while3A_87 = arith.addi %while3A_80, %while3A_86 : i32
      %while3A_88 = arith.constant 1 : i32
      %while3A_89 = scf.for %while3A_93 = %while3A_80 to %while3A_87 step %while3A_88 iter_args(%while3A_94 = %while3A_81) -> (i32)  : i32 {
        %mul3A_95 = arith.constant 512 : i32
        %mul3A_96 = arith.muli %while3A_93, %mul3A_95 : i32
        %mul3A_97 = arith.constant 20480 : i32
        %mul3A_98 = arith.muli %add3A_13, %mul3A_97 : i32
        %mul3A_99 = arith.constant 512 : i32
        %mul3A_100 = arith.muli %while3A_93, %mul3A_99 : i32
        %add3A_101 = arith.addi %mul3A_98, %mul3A_100 : i32
        "tpu.region"() ({
          %run_scoped3A = tpu.sem_alloc : memref<!tpu.dma_semaphore, #tpu.memory_space<semaphore_mem>>
          %dma_start3A = tpu.memref_slice %arg14[%mul3A_96] : memref<20480xi32, #tpu.memory_space<vmem>> -> memref<512xi32, #tpu.memory_space<vmem>>
          %dma_start3A_103 = tpu.memref_slice %arg8[%add3A_101] : memref<2621456xi32, #tpu.memory_space<hbm>> -> memref<512xi32, #tpu.memory_space<hbm>>
          %dma_start3A_104 = tpu.memref_slice %arg8[%add3A_101] : memref<2621456xi32, #tpu.memory_space<hbm>> -> memref<512xi32, #tpu.memory_space<hbm>>
          %dma_start3A_105 = tpu.memref_slice %arg14[%mul3A_96] : memref<20480xi32, #tpu.memory_space<vmem>> -> memref<512xi32, #tpu.memory_space<vmem>>
          tpu.enqueue_dma source(%dma_start3A_105 : memref<512xi32, #tpu.memory_space<vmem>>) target(%dma_start3A_104 : memref<512xi32, #tpu.memory_space<hbm>>) target_semaphore(%run_scoped3A : memref<!tpu.dma_semaphore, #tpu.memory_space<semaphore_mem>>)
          %dma_wait3A = tpu.memref_slice %arg14[%mul3A_96] : memref<20480xi32, #tpu.memory_space<vmem>> -> memref<512xi32, #tpu.memory_space<vmem>>
          %dma_wait3A_106 = tpu.memref_slice %arg8[%add3A_101] : memref<2621456xi32, #tpu.memory_space<hbm>> -> memref<512xi32, #tpu.memory_space<hbm>>
          %dma_wait3A_107 = tpu.memref_slice %arg8[%add3A_101] : memref<2621456xi32, #tpu.memory_space<hbm>> -> memref<512xi32, #tpu.memory_space<hbm>>
          %dma_wait3A_108 = tpu.memref_slice %arg14[%mul3A_96] : memref<20480xi32, #tpu.memory_space<vmem>> -> memref<512xi32, #tpu.memory_space<vmem>>
          tpu.wait_dma2 semaphore(%run_scoped3A : memref<!tpu.dma_semaphore, #tpu.memory_space<semaphore_mem>>) src(%dma_wait3A_108 : memref<512xi32, #tpu.memory_space<vmem>>) dst(%dma_wait3A_107 : memref<512xi32, #tpu.memory_space<hbm>>)
          tpu.yield
        }) : () -> ()
        %while3A_102 = arith.constant 0 : i32
        scf.yield %while3A_102 : i32
      }
      %while3A_90 = arith.constant 1 : i32
      %while3A_91 = scf.for %while3A_93 = %while3A_87 to %while3A_83 step %while3A_90 iter_args(%while3A_94 = %while3A_89) -> (i32)  : i32 {
        %mul3A_95 = arith.constant 512 : i32
        %mul3A_96 = arith.muli %while3A_93, %mul3A_95 : i32
        %mul3A_97 = arith.constant 20480 : i32
        %mul3A_98 = arith.muli %add3A_13, %mul3A_97 : i32
        %mul3A_99 = arith.constant 512 : i32
        %mul3A_100 = arith.muli %while3A_93, %mul3A_99 : i32
        %add3A_101 = arith.addi %mul3A_98, %mul3A_100 : i32
        "tpu.region"() ({
          %run_scoped3A = tpu.sem_alloc : memref<!tpu.dma_semaphore, #tpu.memory_space<semaphore_mem>>
          %dma_start3A = tpu.memref_slice %arg14[%mul3A_96] : memref<20480xi32, #tpu.memory_space<vmem>> -> memref<512xi32, #tpu.memory_space<vmem>>
          %dma_start3A_103 = tpu.memref_slice %arg8[%add3A_101] : memref<2621456xi32, #tpu.memory_space<hbm>> -> memref<512xi32, #tpu.memory_space<hbm>>
          %dma_start3A_104 = tpu.memref_slice %arg8[%add3A_101] : memref<2621456xi32, #tpu.memory_space<hbm>> -> memref<512xi32, #tpu.memory_space<hbm>>
          %dma_start3A_105 = tpu.memref_slice %arg14[%mul3A_96] : memref<20480xi32, #tpu.memory_space<vmem>> -> memref<512xi32, #tpu.memory_space<vmem>>
          tpu.enqueue_dma source(%dma_start3A_105 : memref<512xi32, #tpu.memory_space<vmem>>) target(%dma_start3A_104 : memref<512xi32, #tpu.memory_space<hbm>>) target_semaphore(%run_scoped3A : memref<!tpu.dma_semaphore, #tpu.memory_space<semaphore_mem>>)
          %dma_wait3A = tpu.memref_slice %arg14[%mul3A_96] : memref<20480xi32, #tpu.memory_space<vmem>> -> memref<512xi32, #tpu.memory_space<vmem>>
          %dma_wait3A_106 = tpu.memref_slice %arg8[%add3A_101] : memref<2621456xi32, #tpu.memory_space<hbm>> -> memref<512xi32, #tpu.memory_space<hbm>>
          %dma_wait3A_107 = tpu.memref_slice %arg8[%add3A_101] : memref<2621456xi32, #tpu.memory_space<hbm>> -> memref<512xi32, #tpu.memory_space<hbm>>
          %dma_wait3A_108 = tpu.memref_slice %arg14[%mul3A_96] : memref<20480xi32, #tpu.memory_space<vmem>> -> memref<512xi32, #tpu.memory_space<vmem>>
          tpu.wait_dma2 semaphore(%run_scoped3A : memref<!tpu.dma_semaphore, #tpu.memory_space<semaphore_mem>>) src(%dma_wait3A_108 : memref<512xi32, #tpu.memory_space<vmem>>) dst(%dma_wait3A_107 : memref<512xi32, #tpu.memory_space<hbm>>)
          tpu.yield
        }) : () -> ()
        %while3A_102 = arith.constant 0 : i32
        scf.yield %while3A_102 : i32
      }
      %scan3A_92 = arith.constant 0 : i32
      scf.yield %scan3A_92 : i32
    }
    %scan3A_6 = arith.constant 4 : i32
    %eq3A = arith.constant 0 : i32
    %eq3A_7 = arith.cmpi eq, %add3A, %eq3A : i32
    %convert_element_type3A = arith.extui %eq3A_7 : i1 to i32
    %cond3A = arith.constant 0 : i32
    %cond3A_8 = arith.cmpi ne, %convert_element_type3A, %cond3A : i32
    scf.if %cond3A_8 {
      %broadcast_in_dim3A = arith.constant -1 : i32
      %broadcast_in_dim3A_9 = vector.broadcast %broadcast_in_dim3A : i32 to vector<16xi32>
      %swap3A = arith.constant 0 : index
      %swap3A_10 = tpu.vector_load %arg15[%swap3A] {strides = array<i32>} : memref<16xi32, #tpu.memory_space<vmem>>, vector<16xi32>,
      tpu.vector_store %arg15[%swap3A], %broadcast_in_dim3A_9 {strides = array<i32>} : memref<16xi32, #tpu.memory_space<vmem>>, vector<16xi32>,
      "tpu.region"() ({
        %run_scoped3A = tpu.sem_alloc : memref<!tpu.dma_semaphore, #tpu.memory_space<semaphore_mem>>
        %dma_start3A = arith.constant 2621440 : i32
        %dma_start3A_11 = tpu.memref_slice %arg8[%dma_start3A] : memref<2621456xi32, #tpu.memory_space<hbm>> -> memref<16xi32, #tpu.memory_space<hbm>>
        %dma_start3A_12 = arith.constant 2621440 : i32
        %dma_start3A_13 = tpu.memref_slice %arg8[%dma_start3A_12] : memref<2621456xi32, #tpu.memory_space<hbm>> -> memref<16xi32, #tpu.memory_space<hbm>>
        tpu.enqueue_dma source(%arg15 : memref<16xi32, #tpu.memory_space<vmem>>) target(%dma_start3A_13 : memref<16xi32, #tpu.memory_space<hbm>>) target_semaphore(%run_scoped3A : memref<!tpu.dma_semaphore, #tpu.memory_space<semaphore_mem>>)
        %dma_wait3A = arith.constant 2621440 : i32
        %dma_wait3A_14 = tpu.memref_slice %arg8[%dma_wait3A] : memref<2621456xi32, #tpu.memory_space<hbm>> -> memref<16xi32, #tpu.memory_space<hbm>>
        %dma_wait3A_15 = arith.constant 2621440 : i32
        %dma_wait3A_16 = tpu.memref_slice %arg8[%dma_wait3A_15] : memref<2621456xi32, #tpu.memory_space<hbm>> -> memref<16xi32, #tpu.memory_space<hbm>>
        tpu.wait_dma2 semaphore(%run_scoped3A : memref<!tpu.dma_semaphore, #tpu.memory_space<semaphore_mem>>) src(%arg15 : memref<16xi32, #tpu.memory_space<vmem>>) dst(%dma_wait3A_16 : memref<16xi32, #tpu.memory_space<hbm>>)
        tpu.yield
      }) : () -> ()
    } else {
    }
    return
  }
}

</mosaic_0001>

<sc_bundles>
// kernel: kernel.4.cloned.1.call-start
scs
__scs_entry_jumppad:
0x0: {  	(pc) =	sbr.rel $0x88, $3  }
0x1: {  	(tag) =	ssettag $0x0;
	lr =	simm.s32 $0x1  }
0x2: {  	[smem:$0x3F9F] =	sst lr;
	_ =	strace $0xD0000000  }
0x3: {  	_ = 	snop  }
0x4: {  	_ = 	snop  }
0x5: {  	_ = 	snop  }
0x6: {  	_ = 	snop  }
0x7: {  	_ = 	snop  }
__scs_overlays_trampoline_lowered:
0x8: {  	[smem:$0x3FAE] =	sst s0  }
0x9: {  	[smem:$0x3FAF] =	sst s1  }
0xa: {  	[smem:$0x3FB0] =	sst s2  }
0xb: {  	[smem:$0x3FB1] =	sst s3  }
0xc: {  	[smem:$0x3FB2] =	sst s4  }
0xd: {  	[smem:$0x3FB3] =	sst s5  }
0xe: {  	[smem:$0x3FB4] =	sst s6  }
0xf: {  	[smem:$0x3FB5] =	sst s7  }
0x10: {  	[smem:$0x3FB6] =	sst s8  }
0x11: {  	[smem:$0x3FB7] =	sst s9;
	s0 =	simm.s32 @!p0 $0x0  }
0x12: {  	s1 =	sld [smem:$0x3F9D];
	s0 =	simm.s32 @p0 $0x1  }
0x13: {  	[smem:$0x3FB8] =	sst s0;
	s0 =	simm.s32 @!p1 $0x0  }
0x14: {  	s2 =	sld [smem:$0x3F9C];
	s0 =	simm.s32 @p1 $0x1  }
0x15: {  	[smem:$0x3FB9] =	sst s0;
	s0 =	simm.s32 @!p2 $0x0  }
0x16: {  	s3 =	sld [smem:$0x3FDB];
	s0 =	simm.s32 @p2 $0x1  }
0x17: {  	s4 =	simm.s32 $0x1BF5;
	[smem:$0x3FBB] =	sst s0  }
0x18: {  	s0 =	sld [smem:$0x3F9E];
	_ =	swait.ge [sflag:s4], $0x0  }
0x19: {  	s7 =	sld [smem:$0x3F9F]  }
0x1a: {  	s8 =	sadd.s32 $0xFFFFE003, lr  }
0x1b: {  	s9 =	sadd.s32 $0xFFFFFEF7, lr;
	s5 =	simm.s32 $0xFFFFFFFF;
	p2 =	slt.u32 s8, $0xFFFFF086  }
0x1c: {  	p1 =	slt.u32 s9, $0xF7A;
	s5 =	simm.s32 @!p2 $0x0  }
0x1d: {  	s5 =	simm.s32 @p1 $0x1;
	p0 =	seq.s32 s7, s2  }
0x1e: {  	s7 =	smul.u32 @!p0 $0xF7A, s2;
	p2 =	seq.s32 @!p0 s5, $0x0  }
0x1f: {  	s9 =	smul.u32 $0xF7A, s1;
	s8 =	simm.s32 @!p0 $0x1BF5;
	p2 =	por !p2, p0  }
0x20: {  	[sflag:s8] =	ssyncset.s32 @!p0 $0xFFFFF086;
	s6 =	sadd.s32 @!p0 s3, s7;
	s7 =	simm.s32 @!p0 $0x108  }
0x21: {  	s3 =	sadd.s32 s3, s9;
	s6 =	sadd.s32 @!p0 $0x88, s6;
	s7 =	simm.s32 @p2 $0x1082  }
0x22: {  	[simem:s7], [sflag:s8] =	dma.local @!p0 [hbm:s6], $0xF7A  }
0x23: {  	s9 =	sor.u32 $0xD0000000, s2;
	s6 =	simm.s32 $0x108;
	_ =	swait.ge @!p0 [sflag:s8], $0x0  }
0x24: {  	s3 =	sadd.s32 $0x88, s3;
	s6 =	simm.s32 @!p1 $0x1082;
	[sflag:s4] =	ssyncset.s32 $0xFFFFF086  }
0x25: {  	[simem:s6], [sflag:s4] =	dma.local [hbm:s3], $0xF7A  }
0x26: {  	[smem:$0x3F9F] =	sst s1;
	(tag) =	ssettag s2;
	_ =	strace s9  }
0x27: {  	s1 =	sld [smem:$0x3FAF]  }
0x28: {  	s2 =	sld [smem:$0x3FB0]  }
0x29: {  	s4 =	sld [smem:$0x3FB2]  }
0x2a: {  	p0 =	seq.s32 s5, $0x0;
	s5 =	sld [smem:$0x3FB3]  }
0x2b: {  	s6 =	sld [smem:$0x3FB4]  }
0x2c: {  	s7 =	sld [smem:$0x3FB5]  }
0x2d: {  	s3 =	simm.s32 $0x108;
	s8 =	sld [smem:$0x3FB6]  }
0x2e: {  	s3 =	simm.s32 @!p0 $0x1082;
	s9 =	sld [smem:$0x3FB7]  }
0x2f: {  	lr =	sadd.s32 s0, s3;
	s0 =	sld [smem:$0x3FAE]  }
0x30: {  	s3 =	sld [smem:$0x3FB1]  }
0x31: {  	[smem:$0x3FBA] =	sst s10  }
0x32: {  	s10 =	sld [smem:$0x3FB8];
	_ =	sdelay $0x3  }
0x33: {  	p0 =	seq.s32 s10, $0x1;
	s10 =	sld [smem:$0x3FBA];
	_ =	sdelay $0x3  }
0x34: {  	[smem:$0x3FBA] =	sst s10  }
0x35: {  	s10 =	sld [smem:$0x3FB9];
	_ =	sdelay $0x3  }
0x36: {  	p1 =	seq.s32 s10, $0x1;
	s10 =	sld [smem:$0x3FBA];
	_ =	sdelay $0x3  }
0x37: {  	[smem:$0x3FBA] =	sst s10  }
0x38: {  	s10 =	sld [smem:$0x3FBB]  }
0x39: {  	_ = 	snop;
	(pc) =	sbr.ind lr, $3  }
0x3a: {  	_ = 	snop  }
0x3b: {  	_ = 	snop  }
0x3c: {  	p2 =	seq.s32 s10, $0x1;
	s10 =	sld [smem:$0x3FBA]  }
0x3d: {  	_ =	shalt  }
0x3e: {  	_ =	shalt  }
0x3f: {  	_ =	shalt  }
0x40: {  	_ =	shalt  }
0x41: {  	_ =	shalt  }
0x42: {  	_ =	shalt  }
0x43: {  	_ =	shalt  }
0x44: {  	_ =	shalt  }
0x45: {  	_ =	shalt  }
0x46: {  	_ =	shalt  }
0x47: {  	_ =	shalt  }
0x48: {  	_ =	shalt  }
0x49: {  	_ =	shalt  }
0x4a: {  	_ =	shalt  }
0x4b: {  	_ =	shalt  }
0x4c: {  	_ =	shalt  }
0x4d: {  	_ =	shalt  }
0x4e: {  	_ =	shalt  }
0x4f: {  	_ =	shalt  }
0x50: {  	_ =	shalt  }
0x51: {  	_ =	shalt  }
0x52: {  	_ =	shalt  }
0x53: {  	_ =	shalt  }
0x54: {  	_ =	shalt  }
0x55: {  	_ =	shalt  }
0x56: {  	_ =	shalt  }
0x57: {  	_ =	shalt  }
0x58: {  	_ =	shalt  }
0x59: {  	_ =	shalt  }
0x5a: {  	_ =	shalt  }
0x5b: {  	_ =	shalt  }
0x5c: {  	_ =	shalt  }
0x5d: {  	_ =	shalt  }
0x5e: {  	_ =	shalt  }
0x5f: {  	_ =	shalt  }
0x60: {  	_ =	shalt  }
0x61: {  	_ =	shalt  }
0x62: {  	_ =	shalt  }
0x63: {  	_ =	shalt  }
0x64: {  	_ =	shalt  }
0x65: {  	_ =	shalt  }
0x66: {  	_ =	shalt  }
0x67: {  	_ =	shalt  }
0x68: {  	_ =	shalt  }
0x69: {  	_ =	shalt  }
0x6a: {  	_ =	shalt  }
0x6b: {  	_ =	shalt  }
0x6c: {  	_ =	shalt  }
0x6d: {  	_ =	shalt  }
0x6e: {  	_ =	shalt  }
0x6f: {  	_ =	shalt  }
0x70: {  	_ =	shalt  }
0x71: {  	_ =	shalt  }
0x72: {  	_ =	shalt  }
0x73: {  	_ =	shalt  }
0x74: {  	_ =	shalt  }
0x75: {  	_ =	shalt  }
0x76: {  	_ =	shalt  }
0x77: {  	_ =	shalt  }
0x78: {  	_ =	shalt  }
0x79: {  	_ =	shalt  }
0x7a: {  	_ =	shalt  }
0x7b: {  	_ =	shalt  }
0x7c: {  	_ =	shalt  }
0x7d: {  	_ =	shalt  }
0x7e: {  	_ =	shalt  }
0x7f: {  	_ =	shalt  }
0x80: {  	_ =	shalt  }
0x81: {  	_ =	shalt  }
0x82: {  	_ =	shalt  }
0x83: {  	_ =	shalt  }
0x84: {  	_ =	shalt  }
0x85: {  	_ =	shalt  }
0x86: {  	_ =	shalt  }
0x87: {  	_ =	shalt  }
.Lfunc_end0:
.L_simem_size_0:
called_computation_lowered:
.L_overlay_start_0:
0x88: {  	s2 =	sld [smem:$0x3FD9]  }
0x89: {  	s3 =	sld [smem:$0x3FFE];
	_ =	sdelay $0x1  }
0x8a: {  	s1 =	srdreg.scid  }
0x8b: {  	s0 =	sand.u32 $0x1, s1  }
0x8c: {  	s14 =	sshll.u32 s0, $0xA;
	s2 =	sadd.s32 s3, s2  }
0x8d: {  	s2 =	sadd.s32 s2, s14  }
0x8e: {  	[smem:$0x3FC6] =	sst s2  }
0x8f: {  	_ = 	snop  }
0x90: {  	s2 =	sld [smem:$0x3FD0];
	_ =	sdelay $0x2  }
0x91: {  	s15 =	simm.s32 $0xA;
	s4 =	simm.s32 $0x10  }
0x92: {  	[smem:s4], [sflag:s15] =	dma.local [hbm:s2], $0x1  }
0x93: {  	_ =	swait.eq [sflag:s15], $0x1  }
0x94: {  	[sflag:s15] =	ssyncset.done $0x0  }
0x95: {  	[sflag:s15] =	ssyncadd.s32 $0xFFFFFFFF  }
0x96: {  	s16 =	sld [smem:$0x11];
	(tm) =	ssettm $0x1  }
0x97: {  	s17 =	sld [smem:$0x3FFB];
	_ =	sdelay $0x3  }
0x98: {  	_ =	strace s17  }
0x99: {  	s3 =	sld [smem:$0x3FFC];
	_ =	sdelay $0x3  }
0x9a: {  	_ =	strace s3  }
0x9b: {  	s3 =	sld [smem:$0x3FFD];
	_ =	sdelay $0x3  }
0x9c: {  	_ =	strace s3  }
0x9d: {  	_ =	strace $0x8FFFFFFF  }
0x9e: {  	s18 =	sld [smem:$0x3FDB];
	_ =	sdelay $0x1  }
0x9f: {  	s19 =	simm.s32 $_scs_section_size  }
0xa0: {  	s5 =	simm.s32 $_size__tile_overlayer_lowered;
	s6 =	simm.s32 $_tile_overlayer_lowered  }
0xa1: {  	s22 =	simm.s32 $0x1BFF;
	s21 =	sshll.u32 s6, $0x1;
	s3 =	sadd.s32 s19, s18  }
0xa2: {  	s7 =	simm.s32 $0x0;
	s20 =	sshll.u32 s5, $0x1;
	s5 =	sadd.s32 s21, s3  }
0xa3: {  	[timem:s7], [sflag:s22] =	dma.local [hbm:s5], s20  }
0xa4: {  	_ =	swait.ge [sflag:s22], s20  }
0xa5: {  	s4 =	ssub.s32 $0x0, s20;
	[sflag:s22] =	ssyncset.done $0x0  }
0xa6: {  	[sflag:s22] =	ssyncadd.s32 s4;
	_ =	sdelay $0x1  }
0xa7: {  	s23 =	simm.s32 $0x1B8B  }
0xa8: {  	_ =	swait.ge [sflag:s23], $0x1  }
0xa9: {  	[sflag:s23] =	ssyncset.done $0x0  }
0xaa: {  	s25 =	simm.s32 $0x1B8E;
	s24 =	sld [smem:$0x3FFE];
	[sflag:s23] =	ssyncadd.s32 $0xFFFFFFFF  }
0xab: {  	s26 =	simm.s32 $execute0_lowered;
	[smem:$0x3FD2] =	sst s25  }
0xac: {  	s5 =	sshll.u32 s26, $0x1;
	_ =	strace $0x80000046;
	[dreg:$0x1] =	wrdreg $0xFFFFFFFF  }
0xad: {  	s28 =	simm.s32 $_size_execute0_lowered;
	s3 =	sadd.s32 s3, s5;
	[dreg:$0x0] =	wrdreg $0x0  }
0xae: {  	s5 =	sshll.u32 s28, $0x1;
	[dreg:$0x2] =	wrdreg s3  }
0xaf: {  	[dreg:$0x3] =	wrdreg s5  }
0xb0: {  	[dreg:$0x4] =	wrdreg $0xC0  }
0xb1: {  	_ =	task [dreg:s7], $0x5FFFF  }
0xb2: {  	[dreg:$0x1] =	wrdreg $0xFFFFFFFF  }
0xb3: {  	[dreg:$0x0] =	wrdreg $0x60  }
0xb4: {  	[dreg:$0x2] =	wrdreg s24  }
0xb5: {  	[dreg:$0x3] =	wrdreg s16  }
0xb6: {  	[dreg:$0x4] =	wrdreg $0x9  }
0xb7: {  	_ =	task.clear_ibuf [dreg:s7], $0x5FFFF;
	_ =	strace $0x90000046  }
0xb8: {  	s29 =	simm.s32 $0x9;
	_ =	strace $0x80000048  }
0xb9: {  	_ =	swait.ge [sflag:s29], $0x1  }
0xba: {  	[sflag:s29] =	ssyncadd.s32 $0xFFFFFFFF  }
0xbb: {  	_ =	strace $0x90000048  }
0xbc: {  	_ =	sfence  }
0xbd: {  	s30 =	sld [smem:$0x0];
	_ =	sdelay $0x2  }
0xbe: {  	s31 =	sshll.u32 s1, $0xD;
	s1 =	sshrl.u32 s1, $0x2  }
0xbf: {  	s3 =	sand.u32 $0x4000, s31;
	s1 =	sadd.s32 s1, s30  }
0xc0: {  	s0 =	sor.u32 s3, s0;
	s1 =	sshll.u32 s1, $0x11  }
0xc1: {  	s0 =	sor.u32 s1, s0  }
0xc2: {  	s0 =	sadd.s32 $0x8F2B, s0  }
0xc3: {  	[sflag:s0] =	ssyncadd.remote.s32 $0x1  }
0xc4: {  	_ =	sfence.sel $0xFFFF  }
0xc5: {  	[dreg:$0x0] =	wrdreg $0xFFFFFFFF;
	(pc) =	sbr.abs _section_cstart, $3  }
0xc6: {  	[dreg:$0x1] =	wrdreg $0xFFFFFFFF  }
0xc7: {  	_ =	task.clear_ibuf [dreg:s7], $0x2FFFF;
	_ =	strace $0x9FFFFFFF  }
0xc8: {  	(tm) =	ssettm $0x7FFFFFFF  }
0xc9: {  	_ =	shalt  }
tec
execute0_lowered:
.L_overlay_start_1:
0x0: {  	(tag) =	ssettag $0x1  }
0x1: {  	s0 =	rddreg [dreg:$0x0]  }
0x2: {  	s3 =	simm.s32 $0x0;
	s1 =	srdreg.scid;
	s6 =	stileid.u32  }
0x3: {  	s13 =	simm.s32 $0x1;
	s14 =	simm.s32 $0x1400;
	s15 =	simm.s32 $0x2800  }
0x4: {  	s16 =	simm.s32 $0x3C00;
	s17 =	simm.s32 $0x5000;
	s18 =	simm.s32 $0x5100  }
0x5: {  	s19 =	simm.s32 $0xA100;
	s20 =	simm.s32 $0x0;
	[smem:$0x7FF] =	sst s3  }
0x6: {  	s1 =	sand.u32 $0x1, s1;
	s2 =	smul.u32 $0xA000, s6;
	s4 =	sadd.s32 $0x1E00, s0  }
0x7: {  	s5 =	sadd.s32 $0x1A00, s0;
	_ =	strace $0x80000047;
	[dreg:$0x3] =	wrdreg s4  }
0x8: {  	s28 =	sadd.s32 $0x1600, s0;
	s29 =	sadd.s32 $0x1200, s0;
	[dreg:$0x4] =	wrdreg s5  }
0x9: {  	s8 =	sadd.s32 $0x2200, s0;
	s26 =	smul.u32 $0x5000, s1;
	[dreg:$0x5] =	wrdreg s28  }
.Ltmp0:
0xa: {  	s6 =	sshll.u32 s6, $0x1;
	[dreg:$0x6] =	wrdreg s29;
	(pc) =	sbr.rel .LBB2_1-.Ltmp0, $4  }
0xb: {  	s30 =	ssub.s32 $0x2, s1;
	s9 =	sor.u32 s1, s6;
	s2 =	sadd.s32 s26, s2  }
0xc: {  	vm0 =	vmmov $0x1;
	v0 =	vimm.s32 $0x0;
	s31 =	sshrl.u32 s30, $0x1;
	p0 =	sne.s32 s9, $0x0;
	s2 =	sshrl.u32 s2, $0x3  }
0xd: {  	v0 =	vsel vm0, $0xFFFFFFFF, v0;
	s4 =	ssub.s32 s30, s31;
	s2 =	sadd.s32 s2, s0;
	s0 =	sadd.s32 $0x52400, s0  }
0xe: {  	v1 =	vimm.s32 $0x0;
	[tilespmem:$0x1FFF0] =	vst v0;
	v0 =	vlaneseq.u32;
	s11 =	smax.u32 s4, $0x1;
	[dreg:$0x7] =	wrdreg s0;
	s12 =	sadd.s32 $0x2400, s2  }
.LBB2_14:
0xf: {  	v2 =	vimm.s32 @!p0 $0xFFFFFFFF;
	s0 =	simm.s32 @!p0 $0x0;
	s20 =	sadd.s32 $0x1, s20  }
0x10: {  	s1 =	simm.s32 @!p0 $0xA100;
	s2 =	rddreg [dreg:$0x7];
	[tilespmem:$0xA100] =	vst @!p0 v2;
	p1 =	sne.s32 s20, s11  }
0x11: {  	[hbm4b:s2+s0] =	stream.linear.scatter @!p0 [tilespmem:s1], [sflag:$0x1], $0x10, $0x38;
	[tilespmem:$0xA180] =	vst v63  }
.Ltmp1:
0x12: {  	_ = 	snop;
	(pc) =	sbr.rel @!p1 .LBB2_15-.Ltmp1, $4  }
0x13: {  	s0 =	simm.s32 @!p0 $0x1  }
0x14: {  	_ =	swait.ge @!p0 [sflag:s0], $0x10  }
0x15: {  	[sflag:s0] =	ssyncset.done @!p0 $0x0  }
0x16: {  	[sflag:s0] =	ssyncadd.s32 @!p0 $0xFFFFFFF0  }
.LBB2_1:
0x17: {  	s0 =	rddreg [dreg:$0x3]  }
0x18: {  	[tilespmem:s3], [sflag:$0x1] =	stream.linear.gather [hbm4b:s0+s3], $0x1400, $0x38;
	[tilespmem:$0xA180] =	vst v63  }
0x19: {  	_ =	swait.ge [sflag:s13], $0x1400  }
0x1a: {  	[sflag:s13] =	ssyncset.done $0x0  }
0x1b: {  	s28 =	rddreg [dreg:$0x4];
	[sflag:s13] =	ssyncadd.s32 $0xFFFFEC00  }
0x1c: {  	[tilespmem:s14], [sflag:$0x1] =	stream.linear.gather [hbm4b:s28+s3], $0x1400, $0x38;
	[tilespmem:$0xA180] =	vst v63  }
0x1d: {  	_ =	swait.ge [sflag:s13], $0x1400  }
0x1e: {  	[sflag:s13] =	ssyncset.done $0x0  }
0x1f: {  	s29 =	rddreg [dreg:$0x5];
	[sflag:s13] =	ssyncadd.s32 $0xFFFFEC00  }
0x20: {  	[tilespmem:s15], [sflag:$0x1] =	stream.linear.gather [hbm4b:s29+s3], $0x1400, $0x38;
	[tilespmem:$0xA180] =	vst v63  }
0x21: {  	_ =	swait.ge [sflag:s13], $0x1400  }
0x22: {  	[sflag:s13] =	ssyncset.done $0x0  }
0x23: {  	s30 =	rddreg [dreg:$0x6];
	[sflag:s13] =	ssyncadd.s32 $0xFFFFEC00  }
0x24: {  	[tilespmem:s16], [sflag:$0x1] =	stream.linear.gather [hbm4b:s30+s3], $0x1400, $0x38;
	[tilespmem:$0xA180] =	vst v63  }
0x25: {  	_ =	swait.ge [sflag:s13], $0x1400  }
0x26: {  	[sflag:s13] =	ssyncset.done $0x0  }
0x27: {  	[sflag:s13] =	ssyncadd.s32 $0xFFFFEC00  }
.Ltmp2:
0x28: {  	s31 =	rddreg [dreg:$0x1];
	(pc) =	sbr.rel .LBB2_2-.Ltmp2, $4  }
0x29: {  	[tilespmem:s17], [sflag:$0x1] =	stream.linear.gather [hbm4b:s31+s3], $0x100, $0x38;
	[tilespmem:$0xA180] =	vst v63  }
0x2a: {  	_ =	swait.ge [sflag:s13], $0x100  }
0x2b: {  	[sflag:s13] =	ssyncset.done $0x0  }
0x2c: {  	s21 =	smov.u32 s12;
	s22 =	simm.s32 $0x0;
	[sflag:s13] =	ssyncadd.s32 $0xFFFFFF00  }
.LBB2_12:
0x2d: {  	[sflag:s13] =	ssyncadd.s32 $0xFFFFFE00  }
.LBB2_13:
0x2e: {  	s22 =	sadd.s32 $0x1, s22  }
0x2f: {  	p1 =	sne.s32 s22, $0x4  }
.Ltmp3:
0x30: {  	_ = 	snop;
	(pc) =	sbr.rel @!p1 .LBB2_14-.Ltmp3, $2  }
0x31: {  	_ =	sdelay $0x2  }
0x32: {  	s21 =	sadd.s32 $0x14000, s21  }
.LBB2_2:
0x33: {  	s0 =	sshll.u32 s22, $0x5  }
0x34: {  	s23 =	sor.u32 s9, s0  }
0x35: {  	v2 =	vmov s23;
	s0 =	sadd.s32 $0x1, s23  }
0x36: {  	v3 =	vmov s0;
	_ =	sdelay $0x2  }
0x37: {  	v4 =	vld [tilespmem:$0x1FFF0]  }
0x38: {  	v2 =	vld.idx.msk [tilespmem:v2+s17+$0x0], $0xffff  }
0x39: {  	v3 =	vld.idx.msk [tilespmem:v3+s17+$0x0], $0xffff;
	_ =	sdelay $0x2  }
0x3a: {  	vm0 =	vnez.u8 v4  }
0x3b: {  	v2 =	vnsel vm0, $0x0, v2  }
0x3c: {  	(xrf0) =	vadd.scan.msk.s32 $0xffff, v2;
	v2 =	vnsel vm0, $0x0, v3  }
0x3d: {  	(xrf0) =	vadd.scan.msk.s32 $0xffff, v2;
	_ =	sdelay $0x4  }
0x3e: {  	v2, _, _ =	vpop (xrf0)  }
0x3f: {  	(v2sf) =	vpush v2, $0xF;
	v2, _, _ =	vpop (xrf0)  }
0x40: {  	(v2sf) =	vpush v2, $0xF;
	_ =	sdelay $0xd  }
0x41: {  	s25 =	spop (v2sf)  }
0x42: {  	s24 =	spop (v2sf)  }
0x43: {  	p1 =	slt.s32 s25, s24  }
.Ltmp4:
0x44: {  	_ = 	snop;
	(pc) =	sbr.rel @p1 .LBB2_4-.Ltmp4, $4  }
.Ltmp5:
0x45: {  	_ = 	snop;
	(pc) =	sbr.rel @!p1 .LBB2_9-.Ltmp5, $4  }
0x46: {  	_ = 	snop  }
0x47: {  	_ = 	snop  }
0x48: {  	v10 =	vimm.s32 $0x0;
	v2 =	vimm.s32 $0x80000000  }
0x49: {  	_ = 	snop  }
.LBB2_7:
0x4a: {  	v4 =	vsel vm6, $0x1, v1;
	(xrf0) =	vadd.scan.msk.s32 $0xffff, v19  }
0x4b: {  	v5 =	vsel vm5, $0x1, v1;
	(xrf0) =	vadd.scan.msk.s32 $0xffff, v4  }
0x4c: {  	v47 =	vsel vm4, $0x1, v1;
	v48 =	vsel vm1, $0x1, v1;
	(xrf0) =	vadd.scan.msk.s32 $0xffff, v5  }
0x4d: {  	v49 =	vsel vm2, $0x1, v1;
	v50 =	vadd.s32 v18, v15;
	v6 =	vsel vm7, $0x1, v1;
	(xrf0) =	vadd.scan.msk.s32 $0xffff, v47  }
0x4e: {  	v51 =	vsel vm3, $0x1, v1;
	vm0 =	vlt.s32 v16, $0x4FF0;
	vm9 =	vlt.s32 v18, $0x4FF0;
	(xrf0) =	vadd.scan.msk.s32 $0xffff, v48  }
0x4f: {  	vm11 =	vlt.s32 v12, $0x4FF0;
	vm12 =	vlt.s32 v13, $0x4FF0;
	vm13 =	vlt.s32 v17, $0x4FF0;
	(xrf0) =	vadd.scan.msk.s32 $0xffff, v49  }
0x50: {  	vm14 =	vlt.s32 v11, $0x4FF0;
	v58 =	vor.u32 s6, v2;
	v59 =	vor.u32 s5, v2;
	v8, _, _ =	vpop (xrf0);
	(xrf0) =	vadd.scan.msk.s32 $0xffff, v6  }
0x51: {  	vm10 =	vlt.s32 v50, $0x4FF0;
	v11 =	vnsel vm14, $0x4FF0, v11;
	v52, _, _ =	vpop (xrf0);
	(xrf0) =	vadd.scan.msk.s32 $0xffff, v51;
	v7 =	vadd.s32 v8, v7  }
0x52: {  	v12 =	vnsel vm11, $0x4FF0, v12;
	v9, _, _ =	vpop (xrf0);
	v6 =	vadd.s32 v52, v11;
	v7 =	vadd.s32 $0xFFFFFFFF, v7  }
0x53: {  	v13 =	vnsel vm12, $0x4FF0, v13;
	v8, _, _ =	vpop (xrf0);
	v6 =	vadd.s32 $0xFFFFFFFF, v6;
	v9 =	vadd.s32 v9, v12  }
0x54: {  	v14 =	vnsel vm13, $0x4FF0, v17;
	v11, _, _ =	vpop (xrf0);
	v9 =	vadd.s32 $0xFFFFFFFF, v9;
	v8 =	vadd.s32 v8, v13  }
0x55: {  	v16 =	vnsel vm0, $0x4FF0, v16;
	v54, _, _ =	vpop (xrf0);
	v8 =	vadd.s32 $0xFFFFFFFF, v8;
	v60 =	vadd.s32 v11, v14  }
0x56: {  	v55 =	vnsel vm9, $0x4FF0, v18;
	v56, _, _ =	vpop (xrf0);
	v12 =	vadd.s32 v54, v16;
	v61 =	vadd.s32 $0xFFFFFFFF, v60  }
0x57: {  	v53 =	vnsel vm10, $0x4FF0, v50;
	v13 =	vadd.s32 v56, v55;
	v57, _, _ =	vpop (xrf0);
	[tilespmem:v7+s18+$0x0] =	vst.idx.msk vm8, v58;
	v12 =	vadd.s32 $0xFFFFFFFF, v12  }
0x58: {  	v11 =	vor.u32 s2, v2;
	v13 =	vadd.s32 $0xFFFFFFFF, v13;
	v4 =	vadd.s32 v57, v53;
	[tilespmem:v6+s18+$0x0] =	vst.idx.msk vm6, v59  }
0x59: {  	v62 =	vor.u32 s28, v2;
	v4 =	vadd.s32 $0xFFFFFFFF, v4;
	[tilespmem:v9+s18+$0x0] =	vst.idx.msk vm5, v11  }
0x5a: {  	v63 =	vor.u32 s29, v2;
	v9 =	vor.u32 s30, v2;
	v2 =	vor.u32 s26, v2;
	[tilespmem:v8+s18+$0x0] =	vst.idx.msk vm4, v62  }
0x5b: {  	[tilespmem:v61+s18+$0x0] =	vst.idx.msk vm1, v2  }
0x5c: {  	[tilespmem:v12+s18+$0x0] =	vst.idx.msk vm2, v63  }
0x5d: {  	[tilespmem:v13+s18+$0x0] =	vst.idx.msk vm7, v9  }
0x5e: {  	v10 =	vadd.s32 v50, v10;
	[tilespmem:v4+s18+$0x0] =	vst.idx.msk vm3, v3  }
.LBB2_3:
0x5f: {  	p1 =	seq.s32 s25, s24  }
.Ltmp6:
0x60: {  	_ = 	snop;
	(pc) =	sbr.rel @p1 .LBB2_8-.Ltmp6, $1  }
0x61: {  	_ =	sdelay $0x3  }
.LBB2_4:
0x62: {  	s0 =	smov.u32 s25  }
0x63: {  	s25 =	sadd.s32 $0x1, s25;
	s1 =	simm.s32 $0x1;
	p1 =	slt.u32 s0, $0x7FFFFFFF  }
0x64: {  	s2 =	sshra.s32 s25, $0x1F;
	s1 =	simm.s32 @!p1 $0x0  }
0x65: {  	s4 =	sand.u32 $0x7F, s25;
	s1 =	sadd.s32 s1, s2  }
0x66: {  	p2 =	sne.s32 s4, $0x0;
	p6 =	sne.s32 s1, $0x1  }
0x67: {  	s31 =	sshrl.u32 s2, $0x19;
	p1 =	por !p2, !p6  }
0x68: {  	s2 =	simm.s32 $0x1;
	s1 =	sadd.s32 s31, s25;
	p1 =	por !p1, !p1  }
0x69: {  	s1 =	sshra.s32 s1, $0x7;
	s2 =	simm.s32 @!p1 $0x0  }
0x6a: {  	s7 =	ssub.s32 s1, s2  }
0x6b: {  	p1 =	sgt.s32 s7, $0x27  }
.Ltmp7:
0x6c: {  	_ = 	snop;
	(pc) =	sbr.rel @p1 .LBB2_3-.Ltmp7, $1  }
0x6d: {  	_ =	sdelay $0x3  }
0x6e: {  	s26 =	sshll.u32 s7, $0x9  }
0x6f: {  	s1 =	sshra.s32 s26, $0x2  }
0x70: {  	s10 =	sor.u32 $0x40, s1  }
0x71: {  	s31 =	sadd.s32 $0x1440, s1;
	v11 =	vld [tilespmem:s10+$0xFFFFFFF0]  }
0x72: {  	v4 =	vmov s0;
	s0 =	sadd.s32 $0x2840, s1;
	v12 =	vld [tilespmem:s31+$0xFFFFFFF0]  }
0x73: {  	s1 =	sadd.s32 $0x3C40, s1;
	v13 =	vld [tilespmem:s0+$0xFFFFFFF0]  }
0x74: {  	v14 =	vld [tilespmem:s1+$0xFFFFFFF0]  }
0x75: {  	v15 =	vld [tilespmem:s10+$0x0]  }
0x76: {  	v16 =	vld [tilespmem:s31+$0x0]  }
0x77: {  	v17 =	vld [tilespmem:s0+$0x0]  }
0x78: {  	v18 =	vld [tilespmem:s1+$0x0]  }
0x79: {  	v19 =	vld [tilespmem:s10+$0x10]  }
0x7a: {  	v20 =	vld [tilespmem:s31+$0x10]  }
0x7b: {  	v21 =	vld [tilespmem:s0+$0x10]  }
0x7c: {  	v22 =	vld [tilespmem:s1+$0x10]  }
0x7d: {  	v23 =	vld [tilespmem:s10+$0x20]  }
0x7e: {  	v24 =	vld [tilespmem:s31+$0x20]  }
0x7f: {  	v25 =	vld [tilespmem:s0+$0x20]  }
0x80: {  	v26 =	vld [tilespmem:s1+$0x20]  }
0x81: {  	v27 =	vld [tilespmem:s10+$0x30]  }
0x82: {  	s2 =	sshll.u32 s7, $0x7;
	v2 =	vshll.u32 v4, $0xD;
	v31 =	vld [tilespmem:s31+$0x30]  }
0x83: {  	vm1 =	vlt.s32 v10, $0x4FF0;
	s4 =	sor.u32 $0x70, s2;
	v2 =	vor.u32 v0, v2;
	v5 =	vld.idx.msk [tilespmem:v4+s3+$0x0], $0xffff  }
0x84: {  	v7 =	vnsel vm1, $0x4FF0, v10;
	s28 =	sadd.s32 $0xFFFFFFC0, s4;
	s26 =	sadd.s32 $0xFFFFFFD0, s4;
	v28 =	vor.u32 s4, v0;
	v3 =	vor.u32 s4, v2;
	v8 =	vld.idx.msk [tilespmem:v4+s15+$0x0], $0xffff  }
0x85: {  	s2 =	sadd.s32 $0xFFFFFFB0, s4;
	s29 =	sadd.s32 $0xFFFFFFE0, s4;
	s30 =	sadd.s32 $0xFFFFFFF0, s4;
	v29 =	vor.u32 s28, v0;
	v30 =	vor.u32 s26, v0;
	vm3 =	vgt.s32 v28, v4;
	v9 =	vld.idx.msk [tilespmem:v4+s16+$0x0], $0xffff  }
0x86: {  	s6 =	sadd.s32 $0xFFFFFF90, s4;
	s5 =	sadd.s32 $0xFFFFFFA0, s4;
	v48 =	vor.u32 s2, v0;
	v32 =	vor.u32 s29, v0;
	v33 =	vor.u32 s30, v0;
	v6 =	vld.idx.msk [tilespmem:v4+s14+$0x0], $0xffff  }
0x87: {  	v34 =	vld [tilespmem:s0+$0x30];
	v35 =	vor.u32 s6, v0;
	v36 =	vor.u32 s5, v0;
	vm4 =	vgt.s32 v29, v4  }
0x88: {  	v49 =	vld [tilespmem:s1+$0x30];
	vm1 =	vgt.s32 v30, v4;
	vm2 =	vgt.s32 v32, v4;
	vm7 =	vgt.s32 v33, v4  }
0x89: {  	v37 =	vld [tilespmem:s10+$0xFFFFFFE0];
	vm6 =	vgt.s32 v36, v4;
	vm5 =	vgt.s32 v48, v4;
	vm8 =	vgt.s32 v35, v4  }
0x8a: {  	v51 =	vld [tilespmem:s0+$0xFFFFFFE0];
	v13 =	vmin.f32 v8, v13;
	v11 =	vmax.f32 v5, v11;
	v14 =	vmin.f32 v9, v14  }
0x8b: {  	v52 =	vld [tilespmem:s1+$0xFFFFFFE0];
	v12 =	vmax.f32 v6, v12;
	v17 =	vmin.f32 v8, v17;
	v15 =	vmax.f32 v5, v15  }
0x8c: {  	v53 =	vld [tilespmem:s0+$0xFFFFFFD0];
	v18 =	vmin.f32 v9, v18;
	v16 =	vmax.f32 v6, v16;
	v21 =	vmin.f32 v8, v21  }
0x8d: {  	v50 =	vld [tilespmem:s31+$0xFFFFFFE0];
	v19 =	vmax.f32 v5, v19;
	v22 =	vmin.f32 v9, v22;
	v20 =	vmax.f32 v6, v20  }
0x8e: {  	v54 =	vld [tilespmem:s10+$0xFFFFFFD0];
	v25 =	vmin.f32 v8, v25;
	v23 =	vmax.f32 v5, v23;
	v26 =	vmin.f32 v9, v26  }
0x8f: {  	v41 =	vld [tilespmem:s10+$0xFFFFFFC0];
	v24 =	vmax.f32 v6, v24;
	v34 =	vmin.f32 v8, v34;
	v27 =	vmax.f32 v5, v27  }
0x90: {  	v42 =	vld [tilespmem:s1+$0xFFFFFFC0];
	v29 =	vmin.f32 v9, v49;
	v28 =	vmin.f32 v8, v51;
	v37 =	vmax.f32 v5, v37  }
0x91: {  	v38 =	vld [tilespmem:s1+$0xFFFFFFD0];
	v31 =	vmax.f32 v6, v31;
	v33 =	vmin.f32 v8, v53;
	v32 =	vmin.f32 v9, v52  }
0x92: {  	v39 =	vld [tilespmem:s31+$0xFFFFFFD0];
	v30 =	vmax.f32 v6, v50;
	v11 =	vsub.f32 v13, v11;
	v12 =	vsub.f32 v14, v12  }
0x93: {  	v40 =	vld [tilespmem:s0+$0xFFFFFFC0];
	v36 =	vmax.f32 v5, v54;
	v15 =	vsub.f32 v17, v15;
	v16 =	vsub.f32 v18, v16  }
0x94: {  	v57 =	vmax.f32 v5, v41;
	v13 =	vld [tilespmem:s31+$0xFFFFFFC0];
	v18 =	vsub.f32 v21, v19;
	v19 =	vsub.f32 v22, v20  }
0x95: {  	v60 =	vmin.f32 v9, v42;
	v55 =	vsub.f32 v25, v23;
	v56 =	vsub.f32 v26, v24  }
0x96: {  	v14 =	vmin.f32 v9, v38;
	v58 =	vsub.f32 v34, v27;
	v59 =	vsub.f32 v29, v31  }
0x97: {  	v17 =	vmax.f32 v6, v39;
	v61 =	vsub.f32 v28, v37;
	v62 =	vsub.f32 v32, v30  }
0x98: {  	v20 =	vmin.f32 v8, v40;
	v63 =	vsub.f32 v33, v36;
	v14 =	vsub.f32 v14, v17  }
0x99: {  	v17 =	vsub.f32 v20, v57;
	v11 =	vmin.f32 v11, v12;
	v13 =	vmax.f32 v6, v13  }
0x9a: {  	v12 =	vmin.f32 v15, v16;
	v15 =	vmin.f32 v18, v19;
	v13 =	vsub.f32 v60, v13  }
0x9b: {  	v16 =	vmin.f32 v61, v62;
	v18 =	vmin.f32 v55, v56;
	v19 =	vmin.f32 v58, v59  }
0x9c: {  	v14 =	vmin.f32 v63, v14;
	vm9 =	vgt.f32 v11, $0.0e+00;
	v13 =	vmin.f32 v17, v13  }
0x9d: {  	vm11 =	vgt.f32 v12, $0.0e+00;
	vm12 =	vgt.f32 v15, $0.0e+00;
	vm10 =	vgt.f32 v13, $0.0e+00  }
0x9e: {  	s7 =	sshll.u32 s7, $0x3;
	vm13 =	vgt.f32 v18, $0.0e+00;
	vm8 =	vmand vm8, vm10;
	vm10 =	vgt.f32 v14, $0.0e+00  }
0x9f: {  	s7 =	sadd.s32 $0xFFFFFFF8, s7;
	v11 =	vmpcnt.ones.xlane vm8;
	vm6 =	vmand vm6, vm10;
	vm10 =	vgt.f32 v16, $0.0e+00  }
0xa0: {  	s7 =	sadd.s32 $0x8, s7;
	vm4 =	vmand vm4, vm9;
	v12 =	vmpcnt.ones.xlane vm6;
	vm5 =	vmand vm5, vm10  }
0xa1: {  	p1 =	slt.s32 s7, $0x138;
	vm1 =	vmand vm1, vm11;
	v11 =	vadd.s32 v10, v11;
	v10 =	vmpcnt.ones.xlane vm5  }
.Ltmp8:
0xa2: {  	vm2 =	vmand vm2, vm12;
	v14 =	vmpcnt.ones.xlane vm4;
	v12 =	vadd.s32 v11, v12;
	(pc) =	sbr.rel @!p1 .LBB2_7-.Ltmp8, $4  }
0xa3: {  	vm7 =	vmand vm7, vm13;
	v13 =	vadd.s32 v12, v10;
	v10 =	vmpcnt.ones.xlane vm1  }
0xa4: {  	vm10 =	vgt.f32 v19, $0.0e+00;
	v17 =	vadd.s32 v13, v14;
	v14 =	vmpcnt.ones.xlane vm2  }
0xa5: {  	v15 =	vmpcnt.ones.xlane vm7;
	vm3 =	vmand vm3, vm10;
	v16 =	vadd.s32 v17, v10  }
0xa6: {  	s10 =	sadd.s32 $0x80, s10;
	v19 =	vsel vm8, $0x1, v1;
	v10 =	vmpcnt.ones.xlane vm3;
	v18 =	vadd.s32 v16, v14  }
.LBB2_6:
0xa7: {  	v14 =	vld [tilespmem:s10+$0xFFFFFFF0];
	v20 =	vsel vm6, $0x1, v1;
	v21 =	vsel vm5, $0x1, v1;
	v22 =	vadd.s32 v18, v15;
	s31 =	sadd.s32 $0x80, s31;
	(xrf0) =	vadd.scan.msk.s32 $0xffff, v19  }
0xa8: {  	v19 =	vsel vm4, $0x1, v1;
	v23 =	vsel vm1, $0x1, v1;
	s0 =	sadd.s32 $0x80, s0;
	v15 =	vld [tilespmem:s31+$0xFFFFFFF0];
	v10 =	vadd.s32 v22, v10;
	(xrf0) =	vadd.scan.msk.s32 $0xffff, v20  }
0xa9: {  	v24 =	vsel vm2, $0x1, v1;
	v25 =	vsel vm7, $0x1, v1;
	v26 =	vsel vm3, $0x1, v1;
	s1 =	sadd.s32 $0x80, s1;
	v20 =	vld [tilespmem:s0+$0xFFFFFFF0];
	(xrf0) =	vadd.scan.msk.s32 $0xffff, v21  }
0xaa: {  	vm9 =	vlt.s32 v16, $0x4FF0;
	vm10 =	vlt.s32 v18, $0x4FF0;
	vm11 =	vlt.s32 v22, $0x4FF0;
	v21 =	vld [tilespmem:s1+$0xFFFFFFF0];
	(xrf0) =	vadd.scan.msk.s32 $0xffff, v19  }
0xab: {  	vm12 =	vlt.s32 v12, $0x4FF0;
	vm13 =	vlt.s32 v13, $0x4FF0;
	vm14 =	vlt.s32 v17, $0x4FF0;
	v19 =	vld [tilespmem:s10+$0x0];
	(xrf0) =	vadd.scan.msk.s32 $0xffff, v23  }
0xac: {  	vm0 =	vlt.s32 v11, $0x4FF0;
	vm15 =	vlt.s32 v10, $0x4FF0;
	v22 =	vnsel vm11, $0x4FF0, v22;
	v23 =	vld [tilespmem:s31+$0x0];
	(xrf0) =	vadd.scan.msk.s32 $0xffff, v24  }
0xad: {  	v17 =	vnsel vm14, $0x4FF0, v17;
	v16 =	vnsel vm9, $0x4FF0, v16;
	v18 =	vnsel vm10, $0x4FF0, v18;
	v24 =	vld [tilespmem:s0+$0x0];
	v27, _, _ =	vpop (xrf0);
	(xrf0) =	vadd.scan.msk.s32 $0xffff, v25  }
0xae: {  	v11 =	vnsel vm0, $0x4FF0, v11;
	v31 =	vnsel vm12, $0x4FF0, v12;
	v13 =	vnsel vm13, $0x4FF0, v13;
	v25 =	vld [tilespmem:s1+$0x0];
	v28, _, _ =	vpop (xrf0);
	(xrf0) =	vadd.scan.msk.s32 $0xffff, v26  }
0xaf: {  	v27 =	vadd.s32 v27, v7;
	v7 =	vnsel vm15, $0x4FF0, v10;
	v26 =	vld [tilespmem:s10+$0x10];
	v11 =	vadd.s32 v28, v11;
	v28, _, _ =	vpop (xrf0)  }
0xb0: {  	v27 =	vadd.s32 $0xFFFFFFFF, v27;
	v29 =	vld [tilespmem:s31+$0x10];
	v30 =	vadd.s32 $0xFFFFFFFF, v11;
	v11 =	vadd.s32 v28, v31;
	v12, _, _ =	vpop (xrf0)  }
0xb1: {  	v31 =	vor.u32 s6, v2;
	v28 =	vld [tilespmem:s0+$0x10];
	v32 =	vadd.s32 $0xFFFFFFFF, v11;
	v11 =	vadd.s32 v12, v13;
	v12, _, _ =	vpop (xrf0)  }
0xb2: {  	v34 =	vor.u32 s5, v2;
	v33 =	vld [tilespmem:s1+$0x10];
	v35 =	vadd.s32 $0xFFFFFFFF, v11;
	v11 =	vadd.s32 v12, v17;
	v12, _, _ =	vpop (xrf0)  }
0xb3: {  	v37 =	vor.u32 s2, v2;
	v36 =	vld [tilespmem:s10+$0x20];
	v11 =	vadd.s32 $0xFFFFFFFF, v11;
	v12 =	vadd.s32 v12, v16;
	v16, _, _ =	vpop (xrf0)  }
0xb4: {  	v39 =	vor.u32 s28, v2;
	v38 =	vld [tilespmem:s31+$0x20];
	v13 =	vadd.s32 $0xFFFFFFFF, v12;
	v16 =	vadd.s32 v16, v18;
	v17, _, _ =	vpop (xrf0)  }
0xb5: {  	v12 =	vor.u32 s26, v2;
	v18 =	vld [tilespmem:s0+$0x20];
	[tilespmem:v27+s18+$0x0] =	vst.idx.msk vm8, v31;
	v27 =	vadd.s32 $0xFFFFFFFF, v16;
	v17 =	vadd.s32 v17, v22  }
0xb6: {  	s4 =	sadd.s32 $0x80, s4;
	v16 =	vor.u32 s29, v2;
	v22 =	vld [tilespmem:s1+$0x20];
	[tilespmem:v30+s18+$0x0] =	vst.idx.msk vm6, v34;
	v30 =	vor.u32 s30, v2;
	v17 =	vadd.s32 $0xFFFFFFFF, v17  }
0xb7: {  	s28 =	sadd.s32 $0xFFFFFFC0, s4;
	v40 =	vor.u32 s4, v2;
	s26 =	sadd.s32 $0xFFFFFFD0, s4;
	v34 =	vor.u32 s4, v0;
	v31 =	vld [tilespmem:s10+$0x30];
	[tilespmem:v32+s18+$0x0] =	vst.idx.msk vm5, v37  }
0xb8: {  	s2 =	sadd.s32 $0xFFFFFFB0, s4;
	s29 =	sadd.s32 $0xFFFFFFE0, s4;
	s30 =	sadd.s32 $0xFFFFFFF0, s4;
	v32 =	vor.u32 s28, v0;
	v37 =	vor.u32 s26, v0;
	vm9 =	vgt.s32 v34, v4;
	v41 =	vld [tilespmem:s31+$0x30];
	[tilespmem:v35+s18+$0x0] =	vst.idx.msk vm4, v39  }
0xb9: {  	s5 =	sadd.s32 $0xFFFFFFA0, s4;
	s6 =	sadd.s32 $0xFFFFFF90, s4;
	v34 =	vor.u32 s2, v0;
	v35 =	vor.u32 s29, v0;
	v39 =	vor.u32 s30, v0;
	v42 =	vld [tilespmem:s0+$0x30]  }
0xba: {  	v44 =	vor.u32 s5, v0;
	v43 =	vor.u32 s6, v0;
	vm4 =	vgt.s32 v32, v4;
	v32 =	vld [tilespmem:s1+$0x30];
	[tilespmem:v27+s18+$0x0] =	vst.idx.msk vm7, v30  }
0xbb: {  	vm11 =	vgt.s32 v37, v4;
	vm10 =	vgt.s32 v35, v4;
	vm7 =	vgt.s32 v39, v4;
	v27 =	vld [tilespmem:s10+$0xFFFFFFE0]  }
0xbc: {  	v20 =	vmin.f32 v8, v20;
	vm6 =	vgt.s32 v44, v4;
	vm5 =	vgt.s32 v34, v4;
	v30 =	vld [tilespmem:s31+$0xFFFFFFE0]  }
0xbd: {  	v14 =	vmax.f32 v5, v14;
	v15 =	vmax.f32 v6, v15;
	v21 =	vmin.f32 v9, v21;
	v34 =	vld [tilespmem:s0+$0xFFFFFFE0]  }
0xbe: {  	v19 =	vmax.f32 v5, v19;
	v24 =	vmin.f32 v8, v24;
	v25 =	vmin.f32 v9, v25;
	v35 =	vld [tilespmem:s1+$0xFFFFFFE0]  }
0xbf: {  	s7 =	sadd.s32 $0x8, s7;
	v23 =	vmax.f32 v6, v23;
	v26 =	vmax.f32 v5, v26;
	v28 =	vmin.f32 v8, v28;
	v37 =	vld [tilespmem:s0+$0xFFFFFFD0]  }
0xc0: {  	p1 =	slt.s32 s7, $0x138;
	v29 =	vmax.f32 v6, v29;
	v33 =	vmin.f32 v9, v33;
	v18 =	vmin.f32 v8, v18;
	v39 =	vld [tilespmem:s10+$0xFFFFFFD0]  }
0xc1: {  	v36 =	vmax.f32 v5, v36;
	v38 =	vmax.f32 v6, v38;
	v22 =	vmin.f32 v9, v22;
	v44 =	vld [tilespmem:s1+$0xFFFFFFD0]  }
0xc2: {  	v31 =	vmax.f32 v5, v31;
	v42 =	vmin.f32 v8, v42;
	v32 =	vmin.f32 v9, v32;
	v45 =	vld [tilespmem:s31+$0xFFFFFFD0]  }
0xc3: {  	v41 =	vmax.f32 v6, v41;
	v27 =	vmax.f32 v5, v27;
	v34 =	vmin.f32 v8, v34;
	v46 =	vld [tilespmem:s0+$0xFFFFFFC0]  }
0xc4: {  	v30 =	vmax.f32 v6, v30;
	v35 =	vmin.f32 v9, v35;
	v47 =	vld [tilespmem:s10+$0xFFFFFFC0];
	v37 =	vmin.f32 v8, v37  }
0xc5: {  	v14 =	vsub.f32 v20, v14;
	v15 =	vsub.f32 v21, v15;
	v48 =	vld [tilespmem:s1+$0xFFFFFFC0];
	v39 =	vmax.f32 v5, v39  }
0xc6: {  	v19 =	vsub.f32 v24, v19;
	v23 =	vsub.f32 v25, v23;
	v20 =	vld [tilespmem:s31+$0xFFFFFFC0];
	v21 =	vmin.f32 v9, v44  }
0xc7: {  	v25 =	vsub.f32 v28, v26;
	v26 =	vsub.f32 v33, v29;
	v24 =	vmax.f32 v6, v45  }
0xc8: {  	v18 =	vsub.f32 v18, v36;
	v22 =	vsub.f32 v22, v38;
	v28 =	vmin.f32 v8, v46  }
0xc9: {  	v31 =	vsub.f32 v42, v31;
	v32 =	vsub.f32 v32, v41;
	v29 =	vmax.f32 v5, v47  }
0xca: {  	v27 =	vsub.f32 v34, v27;
	v30 =	vsub.f32 v35, v30;
	v33 =	vmin.f32 v9, v48  }
0xcb: {  	v34 =	vsub.f32 v37, v39;
	v21 =	vsub.f32 v21, v24;
	v20 =	vmax.f32 v6, v20  }
0xcc: {  	vm0 =	vgt.s32 v43, v4;
	v24 =	vsub.f32 v28, v29;
	v20 =	vsub.f32 v33, v20  }
0xcd: {  	v14 =	vmin.f32 v14, v15;
	v15 =	vmin.f32 v19, v23;
	v19 =	vmin.f32 v25, v26  }
0xce: {  	v18 =	vmin.f32 v18, v22;
	v22 =	vmin.f32 v31, v32;
	v23 =	vmin.f32 v27, v30  }
0xcf: {  	vm12 =	vgt.f32 v14, $0.0e+00;
	v21 =	vmin.f32 v34, v21;
	v20 =	vmin.f32 v24, v20;
	[tilespmem:v17+s18+$0x0] =	vst.idx.msk vm3, v3  }
0xd0: {  	vm13 =	vgt.f32 v15, $0.0e+00;
	vm14 =	vgt.f32 v19, $0.0e+00;
	vm3 =	vgt.f32 v20, $0.0e+00;
	v3 =	vmovc v40;
	[tilespmem:v13+s18+$0x0] =	vst.idx.msk vm2, v16  }
0xd1: {  	vm8 =	vmand vm0, vm3;
	vm0 =	vgt.f32 v21, $0.0e+00;
	vm3 =	vgt.f32 v18, $0.0e+00;
	[tilespmem:v11+s18+$0x0] =	vst.idx.msk vm1, v12  }
0xd2: {  	v11 =	vmpcnt.ones.xlane vm8;
	vm6 =	vmand vm6, vm0;
	vm0 =	vgt.f32 v23, $0.0e+00  }
0xd3: {  	v12 =	vmpcnt.ones.xlane vm6;
	vm5 =	vmand vm5, vm0;
	vm0 =	vgt.f32 v22, $0.0e+00  }
0xd4: {  	vm4 =	vmand vm4, vm12;
	v11 =	vadd.s32 v10, v11;
	v10 =	vmpcnt.ones.xlane vm5  }
.Ltmp9:
0xd5: {  	v14 =	vmpcnt.ones.xlane vm4;
	vm1 =	vmand vm11, vm13;
	v12 =	vadd.s32 v11, v12;
	(pc) =	sbr.rel @p1 .LBB2_6-.Ltmp9, $4  }
0xd6: {  	vm2 =	vmand vm10, vm14;
	v13 =	vadd.s32 v12, v10;
	v10 =	vmpcnt.ones.xlane vm1  }
0xd7: {  	vm7 =	vmand vm7, vm3;
	v17 =	vadd.s32 v13, v14;
	v14 =	vmpcnt.ones.xlane vm2  }
0xd8: {  	v15 =	vmpcnt.ones.xlane vm7;
	vm3 =	vmand vm9, vm0;
	v16 =	vadd.s32 v17, v10  }
0xd9: {  	s10 =	sadd.s32 $0x80, s10;
	v19 =	vsel vm8, $0x1, v1;
	v10 =	vmpcnt.ones.xlane vm3;
	v18 =	vadd.s32 v16, v14  }
.Ltmp10:
0xda: {  	_ = 	snop;
	(pc) =	sbr.rel .LBB2_7-.Ltmp10, $1  }
0xdb: {  	_ =	sdelay $0x3  }
.LBB2_8:
0xdc: {  	v2 =	vxor.u32 $0x80000000, v10  }
.LBB2_9:
0xdd: {  	(xrf0) =	vmax.scan.msk.u32 $0xffff, v2;
	_ =	sdelay $0x5  }
0xde: {  	v2, _, _ =	vpop (xrf0)  }
0xdf: {  	(v2sf) =	vpush v2, $0xF;
	_ =	sdelay $0xe  }
0xe0: {  	s0 =	spop (v2sf)  }
0xe1: {  	s0 =	sxor.u32 $0x80000000, s0  }
0xe2: {  	s1 =	sshll.u32 s23, $0x1;
	v2 =	vmov s0;
	p1 =	slt.s32 s0, $0x5000  }
0xe3: {  	s1 =	sadd.s32 s8, s1;
	p2 =	slt.s32 s0, $0xFFFFFE02;
	[tilespmem:$0xA100] =	vst v2;
	s0 =	simm.s32 @!p1 $0x5000  }
0xe4: {  	[hbm4b:s1+s3] =	stream.linear.scatter [tilespmem:s19], [sflag:$0x1], $0x10, $0x38;
	[tilespmem:$0xA180] =	vst v63  }
0xe5: {  	s0 =	sadd.s32 $0x1FF, s0  }
0xe6: {  	s30 =	sand.u32 $0x1FF, s0  }
0xe7: {  	s31 =	sshra.s32 s0, $0x1F;
	p6 =	sne.s32 s30, $0x0  }
0xe8: {  	s1 =	sshrl.u32 s31, $0x17;
	p1 =	por !p2, !p6  }
0xe9: {  	s0 =	sadd.s32 s1, s0;
	s1 =	simm.s32 $0x1;
	p1 =	por !p1, !p1  }
0xea: {  	s0 =	sshra.s32 s0, $0x9;
	s1 =	simm.s32 @!p1 $0x0  }
0xeb: {  	s1 =	ssub.s32 s0, s1  }
0xec: {  	p1 =	slt.s32 s1, $0x1  }
.Ltmp11:
0xed: {  	_ = 	snop;
	(pc) =	sbr.rel @p1 .LBB2_13-.Ltmp11, $4  }
0xee: {  	_ = 	snop  }
0xef: {  	_ =	swait.ge [sflag:s13], $0x10  }
0xf0: {  	[sflag:s13] =	ssyncset.done $0x0  }
0xf1: {  	[sflag:s13] =	ssyncadd.s32 $0xFFFFFFF0;
	s0 =	simm.s32 $0x5100  }
0xf2: {  	p1 =	sne.s32 s1, $0x1  }
.Ltmp12:
0xf3: {  	_ = 	snop;
	(pc) =	sbr.rel @!p1 .LBB2_12-.Ltmp12, $4  }
0xf4: {  	_ = 	snop  }
0xf5: {  	[hbm4b:s21+s3] =	stream.linear.scatter [tilespmem:s0], [sflag:$0x1], $0x200, $0x38;
	[tilespmem:$0xA180] =	vst v63  }
0xf6: {  	_ =	swait.ge [sflag:s13], $0x200  }
0xf7: {  	s1 =	sadd.s32 $0xFFFFFFFF, s1;
	s2 =	smov.u32 s21;
	[sflag:s13] =	ssyncset.done $0x0  }
.LBB2_11:
0xf8: {  	[sflag:s13] =	ssyncadd.s32 $0xFFFFFE00  }
0xf9: {  	s0 =	sadd.s32 $0x200, s0;
	s2 =	sadd.s32 $0x40, s2;
	p1 =	sne.s32 s1, $0x1  }
.Ltmp13:
0xfa: {  	s1 =	sadd.s32 $0xFFFFFFFF, s1;
	(pc) =	sbr.rel @p1 .LBB2_11-.Ltmp13, $4  }
0xfb: {  	_ = 	snop  }
0xfc: {  	[hbm4b:s2+s3] =	stream.linear.scatter [tilespmem:s0], [sflag:$0x1], $0x200, $0x38;
	[tilespmem:$0xA180] =	vst v63  }
0xfd: {  	_ =	swait.ge [sflag:s13], $0x200  }
0xfe: {  	[sflag:s13] =	ssyncset.done $0x0  }
.Ltmp14:
0xff: {  	_ = 	snop;
	(pc) =	sbr.rel .LBB2_12-.Ltmp14, $1  }
0x100: {  	_ =	sdelay $0x3  }
.LBB2_15:
0x101: {  	_ =	sfence.sel $0x180000  }
0x102: {  	[bflag:$0x0] =	sbarrier.arrive $0xFFFF  }
0x103: {  	_ =	strace $0x90000047  }
0x104: {  	s0 =	stileid.u32;
	[bflag:$0x2] =	sbarrier.arrive $0xFFFF  }
0x105: {  	p0 =	sne.s32 s0, $0x0;
	s0 =	rddreg [dreg:$0x2]  }
0x106: {  	s0 =	sadd.s32 @!p0 $0x100000, s0  }
0x107: {  	[sflag:s0] =	ssyncadd.tile.s32 @!p0 $0x1;
	_ =	shalt  }
.Lfunc_end2:
_tile_overlayer_lowered:
.L_overlay_start_2:
0x108: {  	(tag) =	ssettag $0x2  }
0x109: {  	s0 =	rddreg [dreg:$0x0];
	s2 =	stileid.u32  }
0x10a: {  	s1 =	rddreg [dreg:$0x1];
	p0 =	sne.s32 s2, $0x0  }
0x10b: {  	s3 =	rddreg [dreg:$0x2];
	[bflag:$0x3] =	sbarrier.arrive $0xFFFF;
	s2 =	simm.s32 @!p0 $0x1C01  }
0x10c: {  	[timem:s3], [sflag:s2] =	dma.local @!p0 [hbm:s0], s1  }
0x10d: {  	s0 =	simm.s32 @!p0 $0x1  }
0x10e: {  	_ =	swait.ge @!p0 [sflag:s0], s1  }
0x10f: {  	s1 =	ssub.s32 @!p0 $0x0, s1;
	[sflag:s0] =	ssyncset.done @!p0 $0x0  }
0x110: {  	[sflag:s0] =	ssyncadd.s32 @!p0 s1  }
0x111: {  	[bflag:$0x3] =	sbarrier.arrive $0xFFFF  }
0x112: {  	_ =	shalt  }

// kernel: kernel.7.cloned.1.call-start
scs
__scs_entry_jumppad:
0x0: {  	(pc) =	sbr.rel $0x88, $3  }
0x1: {  	(tag) =	ssettag $0x0;
	lr =	simm.s32 $0x1  }
0x2: {  	[smem:$0x3F9F] =	sst lr;
	_ =	strace $0xD0000000  }
0x3: {  	_ = 	snop  }
0x4: {  	_ = 	snop  }
0x5: {  	_ = 	snop  }
0x6: {  	_ = 	snop  }
0x7: {  	_ = 	snop  }
__scs_overlays_trampoline_lowered:
0x8: {  	[smem:$0x3FAE] =	sst s0  }
0x9: {  	[smem:$0x3FAF] =	sst s1  }
0xa: {  	[smem:$0x3FB0] =	sst s2  }
0xb: {  	[smem:$0x3FB1] =	sst s3  }
0xc: {  	[smem:$0x3FB2] =	sst s4  }
0xd: {  	[smem:$0x3FB3] =	sst s5  }
0xe: {  	[smem:$0x3FB4] =	sst s6  }
0xf: {  	[smem:$0x3FB5] =	sst s7  }
0x10: {  	[smem:$0x3FB6] =	sst s8  }
0x11: {  	[smem:$0x3FB7] =	sst s9;
	s0 =	simm.s32 @!p0 $0x0  }
0x12: {  	s1 =	sld [smem:$0x3F9D];
	s0 =	simm.s32 @p0 $0x1  }
0x13: {  	[smem:$0x3FB8] =	sst s0;
	s0 =	simm.s32 @!p1 $0x0  }
0x14: {  	s2 =	sld [smem:$0x3F9C];
	s0 =	simm.s32 @p1 $0x1  }
0x15: {  	[smem:$0x3FB9] =	sst s0;
	s0 =	simm.s32 @!p2 $0x0  }
0x16: {  	s3 =	sld [smem:$0x3FDB];
	s0 =	simm.s32 @p2 $0x1  }
0x17: {  	s4 =	simm.s32 $0x1BF5;
	[smem:$0x3FBB] =	sst s0  }
0x18: {  	s0 =	sld [smem:$0x3F9E];
	_ =	swait.ge [sflag:s4], $0x0  }
0x19: {  	s7 =	sld [smem:$0x3F9F]  }
0x1a: {  	s8 =	sadd.s32 $0xFFFFE003, lr  }
0x1b: {  	s9 =	sadd.s32 $0xFFFFFEF7, lr;
	s5 =	simm.s32 $0xFFFFFFFF;
	p2 =	slt.u32 s8, $0xFFFFF086  }
0x1c: {  	p1 =	slt.u32 s9, $0xF7A;
	s5 =	simm.s32 @!p2 $0x0  }
0x1d: {  	s5 =	simm.s32 @p1 $0x1;
	p0 =	seq.s32 s7, s2  }
0x1e: {  	s7 =	smul.u32 @!p0 $0xF7A, s2;
	p2 =	seq.s32 @!p0 s5, $0x0  }
0x1f: {  	s9 =	smul.u32 $0xF7A, s1;
	s8 =	simm.s32 @!p0 $0x1BF5;
	p2 =	por !p2, p0  }
0x20: {  	[sflag:s8] =	ssyncset.s32 @!p0 $0xFFFFF086;
	s6 =	sadd.s32 @!p0 s3, s7;
	s7 =	simm.s32 @!p0 $0x108  }
0x21: {  	s3 =	sadd.s32 s3, s9;
	s6 =	sadd.s32 @!p0 $0x88, s6;
	s7 =	simm.s32 @p2 $0x1082  }
0x22: {  	[simem:s7], [sflag:s8] =	dma.local @!p0 [hbm:s6], $0xF7A  }
0x23: {  	s9 =	sor.u32 $0xD0000000, s2;
	s6 =	simm.s32 $0x108;
	_ =	swait.ge @!p0 [sflag:s8], $0x0  }
0x24: {  	s3 =	sadd.s32 $0x88, s3;
	s6 =	simm.s32 @!p1 $0x1082;
	[sflag:s4] =	ssyncset.s32 $0xFFFFF086  }
0x25: {  	[simem:s6], [sflag:s4] =	dma.local [hbm:s3], $0xF7A  }
0x26: {  	[smem:$0x3F9F] =	sst s1;
	(tag) =	ssettag s2;
	_ =	strace s9  }
0x27: {  	s1 =	sld [smem:$0x3FAF]  }
0x28: {  	s2 =	sld [smem:$0x3FB0]  }
0x29: {  	s4 =	sld [smem:$0x3FB2]  }
0x2a: {  	p0 =	seq.s32 s5, $0x0;
	s5 =	sld [smem:$0x3FB3]  }
0x2b: {  	s6 =	sld [smem:$0x3FB4]  }
0x2c: {  	s7 =	sld [smem:$0x3FB5]  }
0x2d: {  	s3 =	simm.s32 $0x108;
	s8 =	sld [smem:$0x3FB6]  }
0x2e: {  	s3 =	simm.s32 @!p0 $0x1082;
	s9 =	sld [smem:$0x3FB7]  }
0x2f: {  	lr =	sadd.s32 s0, s3;
	s0 =	sld [smem:$0x3FAE]  }
0x30: {  	s3 =	sld [smem:$0x3FB1]  }
0x31: {  	[smem:$0x3FBA] =	sst s10  }
0x32: {  	s10 =	sld [smem:$0x3FB8];
	_ =	sdelay $0x3  }
0x33: {  	p0 =	seq.s32 s10, $0x1;
	s10 =	sld [smem:$0x3FBA];
	_ =	sdelay $0x3  }
0x34: {  	[smem:$0x3FBA] =	sst s10  }
0x35: {  	s10 =	sld [smem:$0x3FB9];
	_ =	sdelay $0x3  }
0x36: {  	p1 =	seq.s32 s10, $0x1;
	s10 =	sld [smem:$0x3FBA];
	_ =	sdelay $0x3  }
0x37: {  	[smem:$0x3FBA] =	sst s10  }
0x38: {  	s10 =	sld [smem:$0x3FBB]  }
0x39: {  	_ = 	snop;
	(pc) =	sbr.ind lr, $3  }
0x3a: {  	_ = 	snop  }
0x3b: {  	_ = 	snop  }
0x3c: {  	p2 =	seq.s32 s10, $0x1;
	s10 =	sld [smem:$0x3FBA]  }
0x3d: {  	_ =	shalt  }
0x3e: {  	_ =	shalt  }
0x3f: {  	_ =	shalt  }
0x40: {  	_ =	shalt  }
0x41: {  	_ =	shalt  }
0x42: {  	_ =	shalt  }
0x43: {  	_ =	shalt  }
0x44: {  	_ =	shalt  }
0x45: {  	_ =	shalt  }
0x46: {  	_ =	shalt  }
0x47: {  	_ =	shalt  }
0x48: {  	_ =	shalt  }
0x49: {  	_ =	shalt  }
0x4a: {  	_ =	shalt  }
0x4b: {  	_ =	shalt  }
0x4c: {  	_ =	shalt  }
0x4d: {  	_ =	shalt  }
0x4e: {  	_ =	shalt  }
0x4f: {  	_ =	shalt  }
0x50: {  	_ =	shalt  }
0x51: {  	_ =	shalt  }
0x52: {  	_ =	shalt  }
0x53: {  	_ =	shalt  }
0x54: {  	_ =	shalt  }
0x55: {  	_ =	shalt  }
0x56: {  	_ =	shalt  }
0x57: {  	_ =	shalt  }
0x58: {  	_ =	shalt  }
0x59: {  	_ =	shalt  }
0x5a: {  	_ =	shalt  }
0x5b: {  	_ =	shalt  }
0x5c: {  	_ =	shalt  }
0x5d: {  	_ =	shalt  }
0x5e: {  	_ =	shalt  }
0x5f: {  	_ =	shalt  }
0x60: {  	_ =	shalt  }
0x61: {  	_ =	shalt  }
0x62: {  	_ =	shalt  }
0x63: {  	_ =	shalt  }
0x64: {  	_ =	shalt  }
0x65: {  	_ =	shalt  }
0x66: {  	_ =	shalt  }
0x67: {  	_ =	shalt  }
0x68: {  	_ =	shalt  }
0x69: {  	_ =	shalt  }
0x6a: {  	_ =	shalt  }
0x6b: {  	_ =	shalt  }
0x6c: {  	_ =	shalt  }
0x6d: {  	_ =	shalt  }
0x6e: {  	_ =	shalt  }
0x6f: {  	_ =	shalt  }
0x70: {  	_ =	shalt  }
0x71: {  	_ =	shalt  }
0x72: {  	_ =	shalt  }
0x73: {  	_ =	shalt  }
0x74: {  	_ =	shalt  }
0x75: {  	_ =	shalt  }
0x76: {  	_ =	shalt  }
0x77: {  	_ =	shalt  }
0x78: {  	_ =	shalt  }
0x79: {  	_ =	shalt  }
0x7a: {  	_ =	shalt  }
0x7b: {  	_ =	shalt  }
0x7c: {  	_ =	shalt  }
0x7d: {  	_ =	shalt  }
0x7e: {  	_ =	shalt  }
0x7f: {  	_ =	shalt  }
0x80: {  	_ =	shalt  }
0x81: {  	_ =	shalt  }
0x82: {  	_ =	shalt  }
0x83: {  	_ =	shalt  }
0x84: {  	_ =	shalt  }
0x85: {  	_ =	shalt  }
0x86: {  	_ =	shalt  }
0x87: {  	_ =	shalt  }
.Lfunc_end0:
.L_simem_size_0:
called_computation.1_lowered:
.L_overlay_start_0:
0x88: {  	s2 =	sld [smem:$0x3FD9]  }
0x89: {  	s3 =	sld [smem:$0x3FFE];
	_ =	sdelay $0x1  }
0x8a: {  	s1 =	srdreg.scid  }
0x8b: {  	s0 =	sand.u32 $0x1, s1  }
0x8c: {  	s14 =	sshll.u32 s0, $0xA;
	s2 =	sadd.s32 s3, s2  }
0x8d: {  	s2 =	sadd.s32 s2, s14  }
0x8e: {  	[smem:$0x3FC6] =	sst s2  }
0x8f: {  	_ = 	snop  }
0x90: {  	s2 =	sld [smem:$0x3FD0];
	_ =	sdelay $0x2  }
0x91: {  	s15 =	simm.s32 $0xA;
	s4 =	simm.s32 $0x10  }
0x92: {  	[smem:s4], [sflag:s15] =	dma.local [hbm:s2], $0x1  }
0x93: {  	_ =	swait.eq [sflag:s15], $0x1  }
0x94: {  	[sflag:s15] =	ssyncset.done $0x0  }
0x95: {  	s16 =	sld [smem:$0x10];
	[sflag:s15] =	ssyncadd.s32 $0xFFFFFFFF  }
0x96: {  	s17 =	sld [smem:$0x11];
	(tm) =	ssettm $0x1  }
0x97: {  	s18 =	sld [smem:$0x3FFB];
	_ =	sdelay $0x3  }
0x98: {  	_ =	strace s18  }
0x99: {  	s4 =	sld [smem:$0x3FFC];
	_ =	sdelay $0x3  }
0x9a: {  	_ =	strace s4  }
0x9b: {  	s4 =	sld [smem:$0x3FFD];
	_ =	sdelay $0x3  }
0x9c: {  	_ =	strace s4  }
0x9d: {  	_ =	strace $0x8FFFFFFF  }
0x9e: {  	s19 =	sld [smem:$0x3FDB];
	_ =	sdelay $0x1  }
0x9f: {  	s5 =	simm.s32 $_scs_section_size  }
0xa0: {  	s6 =	simm.s32 $_size__tile_overlayer_lowered;
	s7 =	simm.s32 $_tile_overlayer_lowered  }
0xa1: {  	s22 =	simm.s32 $0x1BFF;
	s21 =	sshll.u32 s7, $0x1;
	s4 =	sadd.s32 s5, s19  }
0xa2: {  	s8 =	simm.s32 $0x0;
	s20 =	sshll.u32 s6, $0x1;
	s6 =	sadd.s32 s21, s4  }
0xa3: {  	[timem:s8], [sflag:s22] =	dma.local [hbm:s6], s20  }
0xa4: {  	_ =	swait.ge [sflag:s22], s20  }
0xa5: {  	s5 =	ssub.s32 $0x0, s20;
	[sflag:s22] =	ssyncset.done $0x0  }
0xa6: {  	[sflag:s22] =	ssyncadd.s32 s5;
	_ =	sdelay $0x1  }
0xa7: {  	s23 =	simm.s32 $0x1B8B  }
0xa8: {  	_ =	swait.ge [sflag:s23], $0x1  }
0xa9: {  	[sflag:s23] =	ssyncset.done $0x0  }
0xaa: {  	s25 =	simm.s32 $0x1B8E;
	s24 =	sld [smem:$0x3FFE];
	[sflag:s23] =	ssyncadd.s32 $0xFFFFFFFF  }
0xab: {  	s26 =	simm.s32 $execute0_lowered;
	[smem:$0x3FD2] =	sst s25  }
0xac: {  	s6 =	sshll.u32 s26, $0x1;
	_ =	strace $0x80000049;
	[dreg:$0x1] =	wrdreg $0xFFFFFFFF  }
0xad: {  	s28 =	simm.s32 $_size_execute0_lowered;
	s4 =	sadd.s32 s4, s6;
	[dreg:$0x0] =	wrdreg $0x0  }
0xae: {  	s6 =	sshll.u32 s28, $0x1;
	[dreg:$0x2] =	wrdreg s4  }
0xaf: {  	[dreg:$0x3] =	wrdreg s6  }
0xb0: {  	[dreg:$0x4] =	wrdreg $0xC0  }
0xb1: {  	_ =	task [dreg:s8], $0x5FFFF  }
0xb2: {  	[dreg:$0x1] =	wrdreg $0xFFFFFFFF  }
0xb3: {  	[dreg:$0x0] =	wrdreg $0x60  }
0xb4: {  	[dreg:$0x2] =	wrdreg s24  }
0xb5: {  	[dreg:$0x3] =	wrdreg s17  }
0xb6: {  	[dreg:$0x4] =	wrdreg s16  }
0xb7: {  	[dreg:$0x5] =	wrdreg $0x9  }
0xb8: {  	_ =	task.clear_ibuf [dreg:s8], $0x6FFFF;
	_ =	strace $0x90000049  }
0xb9: {  	s29 =	simm.s32 $0x9;
	_ =	strace $0x8000004B  }
0xba: {  	_ =	swait.ge [sflag:s29], $0x1  }
0xbb: {  	[sflag:s29] =	ssyncadd.s32 $0xFFFFFFFF  }
0xbc: {  	_ =	strace $0x9000004B  }
0xbd: {  	_ =	sfence  }
0xbe: {  	s30 =	sld [smem:$0x0];
	_ =	sdelay $0x2  }
0xbf: {  	s31 =	sshll.u32 s1, $0xD;
	s1 =	sshrl.u32 s1, $0x2  }
0xc0: {  	s3 =	sand.u32 $0x4000, s31;
	s1 =	sadd.s32 s1, s30  }
0xc1: {  	s0 =	sor.u32 s3, s0;
	s1 =	sshll.u32 s1, $0x11  }
0xc2: {  	s0 =	sor.u32 s1, s0  }
0xc3: {  	s0 =	sadd.s32 $0x8F2B, s0  }
0xc4: {  	[sflag:s0] =	ssyncadd.remote.s32 $0x1  }
0xc5: {  	_ =	sfence.sel $0xFFFF  }
0xc6: {  	[dreg:$0x0] =	wrdreg $0xFFFFFFFF;
	(pc) =	sbr.abs _section_cstart, $3  }
0xc7: {  	[dreg:$0x1] =	wrdreg $0xFFFFFFFF  }
0xc8: {  	_ =	task.clear_ibuf [dreg:s8], $0x2FFFF;
	_ =	strace $0x9FFFFFFF  }
0xc9: {  	(tm) =	ssettm $0x7FFFFFFF  }
tec
execute0_lowered:
.L_overlay_start_1:
0x0: {  	(tag) =	ssettag $0x1  }
0x1: {  	s0 =	rddreg [dreg:$0x0]  }
0x2: {  	s1 =	rddreg [dreg:$0x1]  }
0x3: {  	s15 =	rddreg [dreg:$0x2];
	s2 =	simm.s32 $0x0  }
0x4: {  	s3 =	srdreg.scid;
	s16 =	stileid.u32;
	s21 =	simm.s32 $0x2300  }
0x5: {  	s22 =	simm.s32 $0x3700;
	s23 =	simm.s32 $0x4B00;
	s24 =	simm.s32 $0x2  }
0x6: {  	s26 =	simm.s32 $0x880;
	s28 =	simm.s32 $0x80;
	s29 =	simm.s32 $0x1  }
0x7: {  	[smem:$0x7FF] =	sst s2;
	s14 =	sand.u32 $0x1, s3;
	s4 =	sshll.u32 s16, $0x1  }
0x8: {  	s3 =	sadd.s32 $0x2200, s0;
	s5 =	sadd.s32 $0x1E00, s0;
	s6 =	sadd.s32 $0x1A00, s0  }
0x9: {  	s7 =	sadd.s32 $0x1600, s0;
	s8 =	sadd.s32 $0x1200, s0;
	s19 =	smul.u32 $0x4E0, s16  }
0xa: {  	s16 =	sadd.s32 $0x531C0, s0;
	s17 =	sadd.s32 $0x53BC0, s0;
	_ =	strace $0x8000004A  }
0xb: {  	s25 =	sor.u32 s14, s4;
	s4 =	sadd.s32 $0x2400, s0;
	s20 =	smul.u32 $0x270, s14  }
0xc: {  	v0 =	vlaneseq.u32;
	s10 =	ssub.s32 $0x2, s14;
	s14 =	sadd.s32 $0x9C0, s1;
	s9 =	smul.u32 $0x270, s25  }
0xd: {  	v9 =	vimm.s32 $0x40;
	v1 =	vmul.u32 $0x10, v0;
	s12 =	sshrl.u32 s10, $0x1;
	p0 =	sne.s32 s25, $0x1F;
	s25 =	simm.s32 $0x0  }
0xe: {  	vm0 =	vmmov $0x1;
	v10 =	vimm.s32 $0x80;
	v11 =	vimm.s32 $0x60;
	s18 =	ssub.s32 s10, s12;
	s19 =	sadd.s32 s20, s19;
	s20 =	simm.s32 $0xF00  }
0xf: {  	v12 =	vimm.s32 $0xFFFFFFFF;
	v13 =	vor.u32 $0x280000, v0;
	v2 =	vor.u32 $0x100, v1;
	s11 =	sshrl.u32 s9, $0x3;
	s9 =	sadd.s32 $0x52600, s0;
	s18 =	smax.u32 s18, $0x1  }
0x10: {  	v3 =	vor.u32 $0x200, v1;
	v4 =	vor.u32 $0x300, v1;
	v5 =	vor.u32 $0x400, v1;
	s13 =	sadd.s32 s11, s0;
	s10 =	sadd.s32 s1, s11;
	s11 =	sadd.s32 s15, s11  }
0x11: {  	v6 =	vor.u32 $0x500, v1;
	v7 =	vor.u32 $0x600, v1;
	v8 =	vor.u32 $0x700, v1;
	s15 =	sadd.s32 $0x9C0, s15;
	s12 =	sadd.s32 $0x52800, s13;
	s13 =	sadd.s32 $0x53200, s13  }
.LBB2_1:
0x12: {  	[tilespmem:s20], [sflag:$0x1] =	stream.linear.gather [hbm4b:s5+s2], $0x1400, $0x38;
	[tilespmem:$0x6B00] =	vst v63  }
0x13: {  	_ = 	snop  }
0x14: {  	[tilespmem:s21], [sflag:$0x1] =	stream.linear.gather [hbm4b:s6+s2], $0x1400, $0x38;
	[tilespmem:$0x6B00] =	vst v63  }
0x15: {  	_ = 	snop  }
0x16: {  	[tilespmem:s22], [sflag:$0x1] =	stream.linear.gather [hbm4b:s7+s2], $0x1400, $0x38;
	[tilespmem:$0x6B00] =	vst v63  }
0x17: {  	_ = 	snop  }
0x18: {  	[tilespmem:s23], [sflag:$0x1] =	stream.linear.gather [hbm4b:s8+s2], $0x1400, $0x38;
	[tilespmem:$0x6B00] =	vst v63  }
0x19: {  	_ = 	snop  }
0x1a: {  	[tilespmem:s2], [sflag:$0x2] =	stream.linear.gather [hbm4b:s3+s2], $0x800, $0x38;
	[tilespmem:$0x6B00] =	vst v63  }
0x1b: {  	_ =	swait.ge [sflag:s24], $0x800  }
0x1c: {  	[sflag:s24] =	ssyncset.done $0x0  }
0x1d: {  	s0 =	simm.s32 $0x800;
	[sflag:s24] =	ssyncadd.s32 $0xFFFFF800  }
0x1e: {  	[tilespmem:s0], [sflag:$0x2] =	stream.linear.gather [hbm4b:s9+s2], $0x80, $0x38;
	[tilespmem:$0x6B00] =	vst v63  }
0x1f: {  	_ =	swait.ge [sflag:s24], $0x80  }
0x20: {  	[sflag:s24] =	ssyncset.done $0x0  }
0x21: {  	[sflag:s24] =	ssyncadd.s32 $0xFFFFFF80  }
0x22: {  	v14 =	vld [tilespmem:$0x800];
	_ =	sdelay $0x1  }
0x23: {  	v15 =	vld.idx.msk [tilespmem:v1+s2+$0x0], $0xffff;
	_ =	sdelay $0x2  }
0x24: {  	v14 =	vnsel vm0, $0x0, v14  }
0x25: {  	(xrf0) =	vadd.scan.msk.s32 $0xffff, v14  }
0x26: {  	(xrf0) =	vadd.scan.msk.s32 $0xffff, v15;
	_ =	sdelay $0x4  }
0x27: {  	v14, _, _ =	vpop (xrf0)  }
0x28: {  	v16, _, _ =	vpop (xrf0)  }
0x29: {  	v15 =	vsub.s32 v16, v15  }
0x2a: {  	[tilespmem:$0x880] =	vst v15  }
0x2b: {  	v15 =	vld.idx.msk [tilespmem:v2+s2+$0x0], $0xffff;
	_ =	sdelay $0x4  }
0x2c: {  	(xrf0) =	vadd.scan.msk.s32 $0xffff, v15;
	_ =	sdelay $0x4  }
0x2d: {  	(v2sf) =	vpush v14, $0xF  }
0x2e: {  	(v2sf) =	vpush v16, $0xF;
	v16 =	vbroadcast v16, $0xF;
	v14, _, _ =	vpop (xrf0)  }
0x2f: {  	(v2sf) =	vpush v14, $0xF  }
0x30: {  	v15 =	vsub.s32 v16, v15  }
0x31: {  	v14 =	vadd.s32 v14, v15  }
0x32: {  	[tilespmem:$0x890] =	vst v14  }
0x33: {  	v14 =	vld.idx.msk [tilespmem:v3+s2+$0x0], $0xffff;
	_ =	sdelay $0x4  }
0x34: {  	(xrf0) =	vadd.scan.msk.s32 $0xffff, v14;
	_ =	sdelay $0x3  }
0x35: {  	s0 =	spop (v2sf)  }
0x36: {  	s30 =	spop (v2sf)  }
0x37: {  	v15, _, _ =	vpop (xrf0);
	s31 =	spop (v2sf)  }
0x38: {  	v14 =	vsub.s32 v15, v14;
	(v2sf) =	vpush v15, $0xF;
	s30 =	sadd.s32 s30, s31  }
0x39: {  	v14 =	vadd.s32 s30, v14  }
0x3a: {  	[tilespmem:$0x8A0] =	vst v14  }
0x3b: {  	v14 =	vld.idx.msk [tilespmem:v4+s2+$0x0], $0xffff;
	_ =	sdelay $0x4  }
0x3c: {  	(xrf0) =	vadd.scan.msk.s32 $0xffff, v14;
	_ =	sdelay $0x5  }
0x3d: {  	v15, _, _ =	vpop (xrf0)  }
0x3e: {  	s31 =	spop (v2sf);
	(v2sf) =	vpush v15, $0xF  }
0x3f: {  	s30 =	sadd.s32 s30, s31;
	v14 =	vsub.s32 v15, v14  }
0x40: {  	v14 =	vadd.s32 s30, v14  }
0x41: {  	[tilespmem:$0x8B0] =	vst v14  }
0x42: {  	v14 =	vld.idx.msk [tilespmem:v5+s2+$0x0], $0xffff;
	_ =	sdelay $0x4  }
0x43: {  	(xrf0) =	vadd.scan.msk.s32 $0xffff, v14;
	_ =	sdelay $0x5  }
0x44: {  	v15, _, _ =	vpop (xrf0);
	s31 =	spop (v2sf)  }
0x45: {  	v14 =	vsub.s32 v15, v14;
	(v2sf) =	vpush v15, $0xF;
	s30 =	sadd.s32 s30, s31  }
0x46: {  	v14 =	vadd.s32 s30, v14  }
0x47: {  	[tilespmem:$0x8C0] =	vst v14  }
0x48: {  	v14 =	vld.idx.msk [tilespmem:v6+s2+$0x0], $0xffff;
	_ =	sdelay $0x4  }
0x49: {  	(xrf0) =	vadd.scan.msk.s32 $0xffff, v14;
	_ =	sdelay $0x5  }
0x4a: {  	v15, _, _ =	vpop (xrf0)  }
0x4b: {  	s31 =	spop (v2sf);
	(v2sf) =	vpush v15, $0xF  }
0x4c: {  	s30 =	sadd.s32 s30, s31;
	v14 =	vsub.s32 v15, v14  }
0x4d: {  	v14 =	vadd.s32 s30, v14  }
0x4e: {  	[tilespmem:$0x8D0] =	vst v14  }
0x4f: {  	v14 =	vld.idx.msk [tilespmem:v7+s2+$0x0], $0xffff;
	_ =	sdelay $0x4  }
0x50: {  	(xrf0) =	vadd.scan.msk.s32 $0xffff, v14;
	_ =	sdelay $0x5  }
0x51: {  	v15, _, _ =	vpop (xrf0);
	s31 =	spop (v2sf)  }
0x52: {  	v14 =	vsub.s32 v15, v14;
	s30 =	sadd.s32 s30, s31  }
0x53: {  	v14 =	vadd.s32 s30, v14  }
0x54: {  	[tilespmem:$0x8E0] =	vst v14  }
0x55: {  	v14 =	vld.idx.msk [tilespmem:v8+s2+$0x0], $0xffff;
	_ =	sdelay $0x4  }
0x56: {  	(xrf0) =	vadd.scan.msk.s32 $0xffff, v14;
	_ =	sdelay $0x5  }
0x57: {  	(v2sf) =	vpush v15, $0xF;
	v15, _, _ =	vpop (xrf0)  }
0x58: {  	(v2sf) =	vpush v15, $0xF;
	_ =	sdelay $0xd  }
0x59: {  	s31 =	spop (v2sf)  }
0x5a: {  	s30 =	sadd.s32 s30, s31;
	s31 =	spop (v2sf)  }
0x5b: {  	s31 =	sadd.s32 s30, s31  }
0x5c: {  	v14 =	vsub.s32 v15, v14;
	p1 =	slt.s32 s31, s0  }
0x5d: {  	v14 =	vadd.s32 s30, v14;
	s0 =	smov.u32 @p1 s31  }
0x5e: {  	[tilespmem:$0x8F0] =	vst v14;
	s30 =	smov.u32 s19;
	s31 =	simm.s32 $0x0;
	v14 =	vmov s0  }
.LBB2_2:
0x5f: {  	v15 =	vld.idx.msk [tilespmem:v9+s26+$0x0], $0xffff;
	_ =	sdelay $0x3  }
0x60: {  	v16 =	vor.u32 s30, v0  }
0x61: {  	vm1 =	vlt.s32 v16, v15  }
0x62: {  	v15 =	vsel vm1, $0x20, v11;
	_ =	sdelay $0x4  }
0x63: {  	v17 =	vld.idx.msk [tilespmem:v15+s26+$0x0], $0xffff;
	_ =	sdelay $0x4  }
0x64: {  	v18 =	vsel vm1, $0x40, v10;
	vm2 =	vlt.s32 v16, v17  }
0x65: {  	v57 =	vsel vm1, $0x0, v9;
	v18 =	vsel vm2, v15, v18  }
0x66: {  	v15 =	vsel vm2, v57, v15;
	v58 =	vadd.s32 v12, v18  }
0x67: {  	v19 =	vxor.u32 v58, v15  }
0x68: {  	v17 =	vor.u32 v58, v15;
	v19 =	vshrl.u32 v19, $0x1  }
0x69: {  	v17 =	vsub.s32 v17, v19  }
0x6a: {  	v19 =	vand.u32 $0x70, v17;
	_ =	sdelay $0x4  }
0x6b: {  	v19 =	vld.idx.msk [tilespmem:v19+s26+$0x0], $0xffff;
	_ =	sdelay $0x4  }
0x6c: {  	vm1 =	vlt.s32 v16, v19  }
0x6d: {  	v18 =	vsel vm1, v17, v18  }
0x6e: {  	v15 =	vsel vm1, v15, v17;
	v59 =	vadd.s32 v12, v18  }
0x6f: {  	v60 =	vxor.u32 v59, v15  }
0x70: {  	v17 =	vor.u32 v59, v15;
	v19 =	vshrl.u32 v60, $0x1  }
0x71: {  	v17 =	vsub.s32 v17, v19;
	_ =	sdelay $0x4  }
0x72: {  	v19 =	vld.idx.msk [tilespmem:v17+s26+$0x0], $0xffff;
	_ =	sdelay $0x4  }
0x73: {  	vm1 =	vlt.s32 v16, v19  }
0x74: {  	v15 =	vsel vm1, v15, v17;
	v17 =	vsel vm1, v17, v18  }
0x75: {  	v18 =	vxor.u32 v17, v15  }
0x76: {  	v61 =	vand.u32 v17, v15;
	v18 =	vshrl.u32 v18, $0x1  }
0x77: {  	v18 =	vadd.s32 v18, v61;
	_ =	sdelay $0x4  }
0x78: {  	v19 =	vld.idx.msk [tilespmem:v18+s26+$0x0], $0xffff;
	_ =	sdelay $0x4  }
0x79: {  	vm1 =	vlt.s32 v16, v19  }
0x7a: {  	v15 =	vsel vm1, v15, v18;
	v17 =	vsel vm1, v18, v17  }
0x7b: {  	v18 =	vadd.s32 v17, v15  }
0x7c: {  	v18 =	vshrl.u32 v18, $0x1;
	_ =	sdelay $0x4  }
0x7d: {  	v62 =	vld.idx.msk [tilespmem:v18+s26+$0x0], $0xffff;
	_ =	sdelay $0x4  }
0x7e: {  	vm1 =	vlt.s32 v16, v62  }
0x7f: {  	v15 =	vsel vm1, v15, v18;
	v17 =	vsel vm1, v18, v17  }
0x80: {  	v17 =	vadd.s32 v17, v15  }
0x81: {  	v17 =	vshrl.u32 v17, $0x1;
	_ =	sdelay $0x4  }
0x82: {  	v63 =	vld.idx.msk [tilespmem:v17+s26+$0x0], $0xffff;
	_ =	sdelay $0x4  }
0x83: {  	vm1 =	vlt.s32 v16, v63  }
0x84: {  	v15 =	vsel vm1, v15, v17;
	_ =	sdelay $0x4  }
0x85: {  	v17 =	vld.idx.msk [tilespmem:v15+s26+$0x0], $0xffff;
	_ =	sdelay $0x2  }
0x86: {  	p1 =	sne.s32 s31, $0xBC0  }
.Ltmp0:
0x87: {  	v15 =	vmul.u32 $0x5000, v15;
	(pc) =	sbr.rel @p1 .LBB2_2-.Ltmp0, $4  }
0x88: {  	v17 =	vsub.s32 v16, v17  }
0x89: {  	vm1 =	vlt.s32 v16, v14;
	v15 =	vadd.s32 v15, v17  }
0x8a: {  	s0 =	sshra.s32 s31, $0x2;
	v15 =	vsel vm1, v15, v13  }
0x8b: {  	s30 =	sadd.s32 $0x10, s30;
	s31 =	sadd.s32 $0x40, s31;
	[tilespmem:s0+$0x900] =	vst v15  }
0x8c: {  	s0 =	simm.s32 $0x900;
	s1 =	simm.s32 $0xC00  }
0x8d: {  	[tilespmem:s1], [sflag:$0x1] =	stream.indirect.gather [hbm4b:s4+s28], $0x1, s0, s28, $0xb8;
	[tilespmem:$0x6B00] =	vst v63  }
0x8e: {  	s0 =	simm.s32 $0x980;
	s1 =	simm.s32 $0xC80  }
0x8f: {  	[tilespmem:s1], [sflag:$0x1] =	stream.indirect.gather [hbm4b:s4+s28], $0x1, s0, s28, $0xb8;
	[tilespmem:$0x6B00] =	vst v63  }
0x90: {  	s0 =	simm.s32 $0xA00;
	s1 =	simm.s32 $0xD00  }
0x91: {  	[tilespmem:s1], [sflag:$0x1] =	stream.indirect.gather [hbm4b:s4+s28], $0x1, s0, s28, $0xb8;
	[tilespmem:$0x6B00] =	vst v63  }
0x92: {  	s0 =	simm.s32 $0xA80;
	s1 =	simm.s32 $0xD80  }
0x93: {  	[tilespmem:s1], [sflag:$0x1] =	stream.indirect.gather [hbm4b:s4+s28], $0x1, s0, s28, $0xb8;
	[tilespmem:$0x6B00] =	vst v63  }
0x94: {  	s0 =	simm.s32 $0xB00;
	s1 =	simm.s32 $0xE00  }
0x95: {  	[tilespmem:s1], [sflag:$0x1] =	stream.indirect.gather [hbm4b:s4+s28], $0x1, s0, s28, $0xb8;
	[tilespmem:$0x6B00] =	vst v63  }
0x96: {  	s0 =	simm.s32 $0xB80;
	s1 =	simm.s32 $0xE80  }
0x97: {  	[tilespmem:s1], [sflag:$0x1] =	stream.indirect.gather [hbm4b:s4+s28], $0x1, s0, s28, $0xb8;
	[tilespmem:$0x6B00] =	vst v63  }
0x98: {  	_ =	swait.ge [sflag:s29], $0x80  }
0x99: {  	[sflag:s29] =	ssyncset.done $0x0  }
0x9a: {  	[sflag:s29] =	ssyncadd.s32 $0xFFFFFF80  }
0x9b: {  	_ =	swait.ge [sflag:s29], $0x80  }
0x9c: {  	[sflag:s29] =	ssyncset.done $0x0  }
0x9d: {  	[sflag:s29] =	ssyncadd.s32 $0xFFFFFF80  }
0x9e: {  	_ =	swait.ge [sflag:s29], $0x80  }
0x9f: {  	[sflag:s29] =	ssyncset.done $0x0  }
0xa0: {  	[sflag:s29] =	ssyncadd.s32 $0xFFFFFF80  }
0xa1: {  	_ =	swait.ge [sflag:s29], $0x80  }
0xa2: {  	[sflag:s29] =	ssyncset.done $0x0  }
0xa3: {  	[sflag:s29] =	ssyncadd.s32 $0xFFFFFF80  }
0xa4: {  	_ =	swait.ge [sflag:s29], $0x80  }
0xa5: {  	[sflag:s29] =	ssyncset.done $0x0  }
0xa6: {  	[sflag:s29] =	ssyncadd.s32 $0xFFFFFF80  }
0xa7: {  	_ =	swait.ge [sflag:s29], $0x80  }
0xa8: {  	[sflag:s29] =	ssyncset.done $0x0  }
0xa9: {  	[sflag:s29] =	ssyncadd.s32 $0xFFFFFF80  }
0xaa: {  	_ =	swait.ge [sflag:s29], $0x1400  }
0xab: {  	[sflag:s29] =	ssyncset.done $0x0  }
0xac: {  	[sflag:s29] =	ssyncadd.s32 $0xFFFFEC00  }
0xad: {  	_ =	swait.ge [sflag:s29], $0x1400  }
0xae: {  	[sflag:s29] =	ssyncset.done $0x0  }
0xaf: {  	[sflag:s29] =	ssyncadd.s32 $0xFFFFEC00  }
0xb0: {  	_ =	swait.ge [sflag:s29], $0x1400  }
0xb1: {  	[sflag:s29] =	ssyncset.done $0x0  }
0xb2: {  	[sflag:s29] =	ssyncadd.s32 $0xFFFFEC00  }
0xb3: {  	_ =	swait.ge [sflag:s29], $0x1400  }
0xb4: {  	[sflag:s29] =	ssyncset.done $0x0  }
0xb5: {  	s31 =	simm.s32 $0x0;
	[sflag:s29] =	ssyncadd.s32 $0xFFFFEC00  }
0xb6: {  	v15 =	vld [tilespmem:s31+$0xC00];
	_ =	sdelay $0x4  }
0xb7: {  	v14 =	vand.u32 $0x1FFF, v15;
	vm1 =	vlt.s32 v15, $0x0  }
0xb8: {  	v14 =	vsel vm1, $0xFFFFFFFF, v14  }
0xb9: {  	vm2 =	vgt.s32 v14, $0x0  }
0xba: {  	v15 =	vshra.s32 v15, $0xD;
	v16 =	vnsel vm2, $0x0, v14  }
0xbb: {  	vm2 =	vgt.s32 v15, $0x0  }
0xbc: {  	v18 =	vnsel vm2, $0x0, v15  }
0xbd: {  	s30 =	simm.s32 $0x10  }
0xbe: {  	v19 =	vld [tilespmem:s30+$0xC00]  }
0xbf: {  	v17 =	vld.idx.msk [tilespmem:v16+s21+$0x0], $0xffff  }
0xc0: {  	v20 =	vld.idx.msk [tilespmem:v16+s20+$0x0], $0xffff  }
0xc1: {  	s0 =	simm.s32 $0x80;
	vm1 =	vmmov vm1;
	v21 =	vld.idx.msk [tilespmem:v18+s20+$0x0], $0xffff  }
.LBB2_4:
0xc2: {  	p1 =	sne.s32 s0, $0xBC0;
	v22 =	vld.idx.msk [tilespmem:v18+s23+$0x0], $0xffff;
	s1 =	smov.u32 s0;
	s0 =	sadd.s32 $0x40, s0  }
0xc3: {  	v23 =	vld.idx.msk [tilespmem:v16+s23+$0x0], $0xffff  }
0xc4: {  	v24 =	vld.idx.msk [tilespmem:v18+s21+$0x0], $0xffff  }
0xc5: {  	v25 =	vld.idx.msk [tilespmem:v18+s22+$0x0], $0xffff  }
0xc6: {  	v26 =	vld.idx.msk [tilespmem:v16+s22+$0x0], $0xffff  }
0xc7: {  	v20 =	vmax.f32 v21, v20;
	[tilespmem:s31+$0x5F00] =	vst v15;
	v15 =	vshra.s32 v19, $0xD  }
0xc8: {  	vm2 =	vlt.s32 v19, $0x0;
	v16 =	vand.u32 $0x1FFF, v19;
	[tilespmem:s31+$0x6200] =	vst v14  }
0xc9: {  	v14 =	vsel vm2, $0xFFFFFFFF, v16;
	vm3 =	vgt.s32 v15, $0x0  }
0xca: {  	v18 =	vnsel vm3, $0x0, v15;
	vm3 =	vgt.s32 v14, $0x0  }
0xcb: {  	v19 =	vmin.f32 v22, v23;
	v17 =	vmax.f32 v24, v17;
	v16 =	vnsel vm3, $0x0, v14  }
0xcc: {  	v17 =	vsub.f32 v19, v17;
	v21 =	vmin.f32 v25, v26  }
0xcd: {  	v20 =	vsub.f32 v21, v20  }
0xce: {  	s1 =	sshra.s32 s1, $0x2;
	v17 =	vsel vm1, $0x0, v17  }
.Ltmp1:
0xcf: {  	v20 =	vsel vm1, $0x0, v20;
	vm1 =	vmmov vm2;
	v19 =	vld [tilespmem:s1+$0xC00];
	[tilespmem:s31+$0x6800] =	vst v17;
	(pc) =	sbr.rel @p1 .LBB2_4-.Ltmp1, $4  }
0xd0: {  	[tilespmem:s31+$0x6500] =	vst v20;
	s31 =	smov.u32 s30;
	s30 =	smov.u32 s1  }
0xd1: {  	v17 =	vld.idx.msk [tilespmem:v16+s21+$0x0], $0xffff  }
0xd2: {  	v20 =	vld.idx.msk [tilespmem:v16+s20+$0x0], $0xffff  }
0xd3: {  	v21 =	vld.idx.msk [tilespmem:v18+s20+$0x0], $0xffff  }
0xd4: {  	_ =	sdelay $0x3  }
0xd5: {  	v22 =	vld.idx.msk [tilespmem:v18+s23+$0x0], $0xffff  }
0xd6: {  	v23 =	vld.idx.msk [tilespmem:v16+s23+$0x0], $0xffff  }
0xd7: {  	v24 =	vld.idx.msk [tilespmem:v18+s21+$0x0], $0xffff  }
0xd8: {  	v54 =	vld.idx.msk [tilespmem:v18+s22+$0x0], $0xffff  }
0xd9: {  	v55 =	vld.idx.msk [tilespmem:v16+s22+$0x0], $0xffff  }
0xda: {  	v25 =	vand.u32 $0x1FFF, v19;
	vm2 =	vlt.s32 v19, $0x0  }
0xdb: {  	v57 =	vsel vm2, $0xFFFFFFFF, v25  }
0xdc: {  	v56 =	vshra.s32 v19, $0xD;
	vm3 =	vgt.s32 v57, $0x0  }
0xdd: {  	v58 =	vnsel vm3, $0x0, v57;
	v22 =	vmin.f32 v22, v23;
	v17 =	vmax.f32 v24, v17  }
0xde: {  	v20 =	vmax.f32 v21, v20;
	v16 =	vmin.f32 v54, v55;
	v17 =	vsub.f32 v22, v17  }
0xdf: {  	[tilespmem:s31+$0x5F00] =	vst v15;
	vm3 =	vgt.s32 v56, $0x0;
	v15 =	vsub.f32 v16, v20  }
0xe0: {  	[tilespmem:s31+$0x6200] =	vst v14;
	v14 =	vnsel vm3, $0x0, v56;
	v59 =	vsel vm1, $0x0, v17  }
0xe1: {  	v15 =	vsel vm1, $0x0, v15;
	[tilespmem:s31+$0x6800] =	vst v59  }
0xe2: {  	[tilespmem:s31+$0x6500] =	vst v15  }
0xe3: {  	v15 =	vld.idx.msk [tilespmem:v58+s21+$0x0], $0xffff  }
0xe4: {  	v16 =	vld.idx.msk [tilespmem:v58+s20+$0x0], $0xffff  }
0xe5: {  	v60 =	vld.idx.msk [tilespmem:v14+s20+$0x0], $0xffff  }
0xe6: {  	v61 =	vld.idx.msk [tilespmem:v14+s23+$0x0], $0xffff  }
0xe7: {  	v62 =	vld.idx.msk [tilespmem:v58+s23+$0x0], $0xffff  }
0xe8: {  	v63 =	vld.idx.msk [tilespmem:v14+s21+$0x0], $0xffff  }
0xe9: {  	v14 =	vld.idx.msk [tilespmem:v14+s22+$0x0], $0xffff  }
0xea: {  	v23 =	vld.idx.msk [tilespmem:v58+s22+$0x0], $0xffff;
	_ =	sdelay $0x3  }
0xeb: {  	v18 =	vmin.f32 v61, v62;
	v15 =	vmax.f32 v63, v15  }
0xec: {  	v16 =	vmax.f32 v60, v16;
	v14 =	vmin.f32 v14, v23;
	v15 =	vsub.f32 v18, v15  }
0xed: {  	vm1 =	vmmov vm2;
	[tilespmem:s30+$0x5F00] =	vst v56;
	v14 =	vsub.f32 v14, v16  }
0xee: {  	[tilespmem:s30+$0x6200] =	vst v57;
	v15 =	vsel vm1, $0x0, v15  }
0xef: {  	v14 =	vsel vm1, $0x0, v14;
	[tilespmem:s30+$0x6800] =	vst v15  }
0xf0: {  	s0 =	simm.s32 $0x5F00;
	[tilespmem:s30+$0x6500] =	vst v14  }
0xf1: {  	[hbm4b:s10+s2] =	stream.linear.scatter [tilespmem:s0], [sflag:$0x1], $0x270, $0x38;
	[tilespmem:$0x6B00] =	vst v63  }
0xf2: {  	s1 =	simm.s32 $0x6200  }
0xf3: {  	[hbm4b:s11+s2] =	stream.linear.scatter [tilespmem:s1], [sflag:$0x1], $0x270, $0x38;
	[tilespmem:$0x6B00] =	vst v63  }
0xf4: {  	s30 =	simm.s32 $0x6500  }
0xf5: {  	[hbm4b:s12+s2] =	stream.linear.scatter [tilespmem:s30], [sflag:$0x1], $0x270, $0x38;
	[tilespmem:$0x6B00] =	vst v63  }
0xf6: {  	s31 =	simm.s32 $0x6800  }
0xf7: {  	[hbm4b:s13+s2] =	stream.linear.scatter [tilespmem:s31], [sflag:$0x1], $0x270, $0x38;
	[tilespmem:$0x6B00] =	vst v63  }
0xf8: {  	_ =	swait.ge [sflag:s29], $0x270  }
0xf9: {  	[sflag:s29] =	ssyncset.done $0x0  }
0xfa: {  	[sflag:s29] =	ssyncadd.s32 $0xFFFFFD90  }
0xfb: {  	_ =	swait.ge [sflag:s29], $0x270  }
0xfc: {  	[sflag:s29] =	ssyncset.done $0x0  }
0xfd: {  	[sflag:s29] =	ssyncadd.s32 $0xFFFFFD90  }
0xfe: {  	_ =	swait.ge [sflag:s29], $0x270  }
0xff: {  	[sflag:s29] =	ssyncset.done $0x0  }
0x100: {  	[sflag:s29] =	ssyncadd.s32 $0xFFFFFD90  }
0x101: {  	_ =	swait.ge [sflag:s29], $0x270  }
0x102: {  	[sflag:s29] =	ssyncset.done $0x0  }
0x103: {  	s0 =	simm.s32 @!p0 $0x0;
	s1 =	simm.s32 @!p0 $0x6170;
	[sflag:s29] =	ssyncadd.s32 $0xFFFFFD90  }
0x104: {  	[hbm4b:s14+s0] =	stream.linear.scatter @!p0 [tilespmem:s1], [sflag:$0x1], $0x20, $0x38;
	[tilespmem:$0x6B00] =	vst v63  }
0x105: {  	s1 =	simm.s32 @!p0 $0x6470  }
0x106: {  	[hbm4b:s15+s0] =	stream.linear.scatter @!p0 [tilespmem:s1], [sflag:$0x1], $0x20, $0x38;
	[tilespmem:$0x6B00] =	vst v63  }
0x107: {  	s1 =	simm.s32 @!p0 $0x6770  }
0x108: {  	[hbm4b:s16+s0] =	stream.linear.scatter @!p0 [tilespmem:s1], [sflag:$0x1], $0x20, $0x38;
	[tilespmem:$0x6B00] =	vst v63  }
0x109: {  	s1 =	simm.s32 @!p0 $0x6A70  }
0x10a: {  	[hbm4b:s17+s0] =	stream.linear.scatter @!p0 [tilespmem:s1], [sflag:$0x1], $0x20, $0x38;
	[tilespmem:$0x6B00] =	vst v63  }
0x10b: {  	s0 =	simm.s32 @!p0 $0x1  }
0x10c: {  	_ =	swait.ge @!p0 [sflag:s0], $0x20  }
0x10d: {  	[sflag:s0] =	ssyncset.done @!p0 $0x0  }
0x10e: {  	[sflag:s0] =	ssyncadd.s32 @!p0 $0xFFFFFFE0  }
0x10f: {  	_ =	swait.ge @!p0 [sflag:s0], $0x20  }
0x110: {  	[sflag:s0] =	ssyncset.done @!p0 $0x0  }
0x111: {  	s25 =	sadd.s32 $0x1, s25;
	[sflag:s0] =	ssyncadd.s32 @!p0 $0xFFFFFFE0  }
0x112: {  	p1 =	sne.s32 s25, s18;
	_ =	swait.ge @!p0 [sflag:s0], $0x20  }
.Ltmp2:
0x113: {  	[sflag:s0] =	ssyncset.done @!p0 $0x0;
	(pc) =	sbr.rel @p1 .LBB2_1-.Ltmp2, $4  }
0x114: {  	[sflag:s0] =	ssyncadd.s32 @!p0 $0xFFFFFFE0  }
0x115: {  	_ =	swait.ge @!p0 [sflag:s0], $0x20  }
0x116: {  	[sflag:s0] =	ssyncset.done @!p0 $0x0  }
0x117: {  	[sflag:s0] =	ssyncadd.s32 @!p0 $0xFFFFFFE0  }
0x118: {  	_ =	sfence.sel $0x180000  }
0x119: {  	[bflag:$0x0] =	sbarrier.arrive $0xFFFF  }
0x11a: {  	_ =	strace $0x9000004A  }
0x11b: {  	s0 =	stileid.u32;
	[bflag:$0x2] =	sbarrier.arrive $0xFFFF  }
0x11c: {  	p0 =	sne.s32 s0, $0x0;
	s0 =	rddreg [dreg:$0x3]  }
0x11d: {  	s0 =	sadd.s32 @!p0 $0x100000, s0  }
0x11e: {  	[sflag:s0] =	ssyncadd.tile.s32 @!p0 $0x1;
	_ =	shalt  }
.Lfunc_end2:
_tile_overlayer_lowered:
.L_overlay_start_2:
0x11f: {  	(tag) =	ssettag $0x2  }
0x120: {  	s0 =	rddreg [dreg:$0x0];
	s2 =	stileid.u32  }
0x121: {  	s1 =	rddreg [dreg:$0x1];
	p0 =	sne.s32 s2, $0x0  }
0x122: {  	s3 =	rddreg [dreg:$0x2];
	[bflag:$0x3] =	sbarrier.arrive $0xFFFF;
	s2 =	simm.s32 @!p0 $0x1C02  }
0x123: {  	[timem:s3], [sflag:s2] =	dma.local @!p0 [hbm:s0], s1  }
0x124: {  	s0 =	simm.s32 @!p0 $0x2  }
0x125: {  	_ =	swait.ge @!p0 [sflag:s0], s1  }
0x126: {  	s1 =	ssub.s32 @!p0 $0x0, s1;
	[sflag:s0] =	ssyncset.done @!p0 $0x0  }
0x127: {  	[sflag:s0] =	ssyncadd.s32 @!p0 s1  }
0x128: {  	[bflag:$0x3] =	sbarrier.arrive $0xFFFF  }
0x129: {  	_ =	shalt  }

</sc_bundles>
